<compile_context>
chip_gen: v7x
topology: tpu7x:2x2x1
jax: 0.10.2.dev20260603
libtpu: 0.0.44.dev20260713+nightly
codegen_flags: <defaults>
</compile_context>

<pallas_src>
import functools

import jax
import jax.numpy as jnp
from jax import lax
from jax.experimental import pallas as pl
from jax.experimental.pallas import tpu as pltpu
from jax.experimental.pallas import tpu_sc as plsc

N_NODES = 10000
D_FEAT = 128
D_HALF = 64
N_EDGES = 320000

NC, NS, L = 2, 16, 16
NW = NC * NS
E_CHUNK = 128
N_PAD = 10240
ROWS_PER_TILE = N_PAD // NS
CHUNKS = 2560
E_PAD = CHUNKS * E_CHUNK
CH_PER_TILE_DEG = CHUNKS // NW
CH_PER_CORE = CHUNKS // NC
CH_PER_TILE_ACC = CHUNKS // NS

_mesh = plsc.VectorSubcoreMesh(core_axis_name="c", subcore_axis_name="s")


@functools.partial(
    pl.kernel,
    out_type=jax.ShapeDtypeStruct((NC, N_PAD, 16), jnp.float32),
    mesh=_mesh,
    scratch_types=[
        pltpu.VMEM((CH_PER_TILE_DEG, E_CHUNK), jnp.int32),
        pltpu.VMEM((E_CHUNK, 16), jnp.float32),
        pltpu.VMEM((E_CHUNK, 16), jnp.float32),
        pltpu.VMEM_SHARED((N_PAD, 16), jnp.float32),
    ],
)
def _deg_kernel(dst_hbm, deg_out, idx_d, ones_b, zero_b, deg_sh):
    c = lax.axis_index("c")
    s = lax.axis_index("s")

    def fill(i, _):
        ones_b[i, :] = jnp.ones((16,), jnp.float32)
        zero_b[i, :] = jnp.zeros((16,), jnp.float32)
        return _
    lax.fori_loop(0, E_CHUNK, fill, None)

    t0 = s * ROWS_PER_TILE
    for k in range(ROWS_PER_TILE // E_CHUNK):
        pltpu.sync_copy(zero_b, deg_sh.at[pl.ds(t0 + k * E_CHUNK, E_CHUNK)])
    plsc.subcore_barrier()

    base = c * CH_PER_CORE + s * CH_PER_TILE_DEG
    pltpu.sync_copy(dst_hbm.at[pl.ds(base, CH_PER_TILE_DEG)], idx_d)

    def body(j, _):
        pltpu.sync_copy(ones_b, deg_sh.at[idx_d.at[j]], add=True)
        return _
    lax.fori_loop(0, CH_PER_TILE_DEG, body, None)
    plsc.subcore_barrier()

    pltpu.sync_copy(deg_sh.at[pl.ds(t0, ROWS_PER_TILE)],
                    deg_out.at[c, pl.ds(t0, ROWS_PER_TILE)])


@functools.partial(
    pl.kernel,
    out_type=jax.ShapeDtypeStruct((NC, N_PAD, D_HALF), jnp.float32),
    mesh=_mesh,
    scratch_types=[
        pltpu.VMEM((CH_PER_TILE_ACC, E_CHUNK), jnp.int32),
        pltpu.VMEM((CH_PER_TILE_ACC, E_CHUNK), jnp.int32),
        pltpu.VMEM((E_CHUNK, D_HALF), jnp.float32),
        pltpu.VMEM((E_CHUNK, D_HALF), jnp.float32),
        pltpu.VMEM_SHARED((N_PAD, D_HALF), jnp.float32),
        pltpu.SemaphoreType.DMA,
    ],
    compiler_params=pltpu.CompilerParams(use_tc_tiling_on_sc=False),
)
def _scatter_kernel(src_hbm, dst_hbm, ys0_hbm, ys1_hbm, acc_out,
                    idx_s, idx_d, rows, zero_b, acc_sh, sem):
    c = lax.axis_index("c")
    s = lax.axis_index("s")

    def fill(i, _):
        for k in range(D_HALF // L):
            zero_b[i, pl.ds(k * L, L)] = jnp.zeros((L,), jnp.float32)
        return _
    lax.fori_loop(0, E_CHUNK, fill, None)

    t0 = s * ROWS_PER_TILE
    for k in range(ROWS_PER_TILE // E_CHUNK):
        pltpu.sync_copy(zero_b, acc_sh.at[pl.ds(t0 + k * E_CHUNK, E_CHUNK)])
    plsc.subcore_barrier()

    base = s * CH_PER_TILE_ACC
    pltpu.sync_copy(src_hbm.at[pl.ds(base, CH_PER_TILE_ACC)], idx_s)
    pltpu.sync_copy(dst_hbm.at[pl.ds(base, CH_PER_TILE_ACC)], idx_d)

    def body0(j, _):
        pltpu.async_copy(ys0_hbm.at[idx_s.at[j]], rows, sem).wait()
        pltpu.sync_copy(rows, acc_sh.at[idx_d.at[j]], add=True)
        return _

    def body1(j, _):
        pltpu.async_copy(ys1_hbm.at[idx_s.at[j]], rows, sem).wait()
        pltpu.sync_copy(rows, acc_sh.at[idx_d.at[j]], add=True)
        return _

    @pl.when(c == 0)
    def _():
        lax.fori_loop(0, CH_PER_TILE_ACC, body0, None)

    @pl.when(c == 1)
    def _():
        lax.fori_loop(0, CH_PER_TILE_ACC, body1, None)
    plsc.subcore_barrier()

    pltpu.sync_copy(acc_sh.at[pl.ds(t0, ROWS_PER_TILE)],
                    acc_out.at[c, pl.ds(t0, ROWS_PER_TILE)])


def _scale_body(x_ref, w_ref, da_ref, db_ref, ys0_ref, ys1_ref):
    deg = 1.0 + da_ref[:, :1] + db_ref[:, :1]
    dinv = lax.rsqrt(deg)
    xw = jnp.dot(x_ref[...], w_ref[...], preferred_element_type=jnp.float32)
    ys = xw * dinv
    ys0_ref[...] = ys[:, :D_HALF]
    ys1_ref[...] = ys[:, D_HALF:]


def _scale_call(x_pad, w, deg_a, deg_b):
    blk = 1024
    grid = N_PAD // blk
    return pl.pallas_call(
        _scale_body,
        grid=(grid,),
        in_specs=[
            pl.BlockSpec((blk, D_FEAT), lambda i: (i, 0)),
            pl.BlockSpec((D_FEAT, D_FEAT), lambda i: (0, 0)),
            pl.BlockSpec((blk, 16), lambda i: (i, 0)),
            pl.BlockSpec((blk, 16), lambda i: (i, 0)),
        ],
        out_specs=[
            pl.BlockSpec((blk, D_HALF), lambda i: (i, 0)),
            pl.BlockSpec((blk, D_HALF), lambda i: (i, 0)),
        ],
        out_shape=[
            jax.ShapeDtypeStruct((N_PAD, D_HALF), jnp.float32),
            jax.ShapeDtypeStruct((N_PAD, D_HALF), jnp.float32),
        ],
    )(x_pad, w, deg_a, deg_b)


def _head_body(aa_ref, ab_ref, ys0_ref, ys1_ref, x_ref, da_ref, db_ref,
               bc_ref, w1_ref, b1_ref, w2_ref, b2_ref, w3_ref, b3_ref,
               out_ref):
    deg = 1.0 + da_ref[:, :1] + db_ref[:, :1]
    dinv = lax.rsqrt(deg)
    acc = jnp.concatenate([aa_ref[...], ab_ref[...]], axis=1)
    ys = jnp.concatenate([ys0_ref[...], ys1_ref[...]], axis=1)
    g = dinv * (acc + ys) + bc_ref[...]
    h = jnp.maximum(g, 0.0) + x_ref[...]
    h1 = jnp.maximum(
        jnp.dot(h, w1_ref[...], preferred_element_type=jnp.float32)
        + b1_ref[...], 0.0)
    h2 = jnp.maximum(
        jnp.dot(h1, w2_ref[...], preferred_element_type=jnp.float32)
        + b2_ref[...], 0.0)
    out_ref[...] = (
        jnp.dot(h2, w3_ref[...], preferred_element_type=jnp.float32)
        + b3_ref[...])


def _head_call(acc_a, acc_b, ys0, ys1, x_pad, deg_a, deg_b,
               bc, w1, b1, w2, b2, w3, b3):
    blk = 1024
    grid = N_PAD // blk
    full = lambda r, c_: pl.BlockSpec((r, c_), lambda i: (0, 0))
    return pl.pallas_call(
        _head_body,
        grid=(grid,),
        in_specs=[
            pl.BlockSpec((blk, D_HALF), lambda i: (i, 0)),
            pl.BlockSpec((blk, D_HALF), lambda i: (i, 0)),
            pl.BlockSpec((blk, D_HALF), lambda i: (i, 0)),
            pl.BlockSpec((blk, D_HALF), lambda i: (i, 0)),
            pl.BlockSpec((blk, D_FEAT), lambda i: (i, 0)),
            pl.BlockSpec((blk, 16), lambda i: (i, 0)),
            pl.BlockSpec((blk, 16), lambda i: (i, 0)),
            full(1, D_FEAT),
            full(D_FEAT, 32), full(1, 32),
            full(32, 32), full(1, 32),
            full(32, 1), full(1, 1),
        ],
        out_specs=pl.BlockSpec((blk, 1), lambda i: (i, 0)),
        out_shape=jax.ShapeDtypeStruct((N_PAD, 1), jnp.float32),
    )(acc_a, acc_b, ys0, ys1, x_pad, deg_a, deg_b,
      bc, w1, b1, w2, b2, w3, b3)


def kernel(x, edge_index, W_conv, b_conv, W1, b1, W2, b2, W3, b3):
    src = edge_index[0].astype(jnp.int32)
    dst = edge_index[1].astype(jnp.int32)
    n_pad_e = E_PAD - N_EDGES
    pad_idx = (N_NODES + jnp.arange(n_pad_e, dtype=jnp.int32)
               % (N_PAD - N_NODES))
    src_p = jnp.concatenate([src, pad_idx]).reshape(CHUNKS, E_CHUNK)
    dst_p = jnp.concatenate([dst, pad_idx]).reshape(CHUNKS, E_CHUNK)

    x_pad = jnp.pad(x, ((0, N_PAD - N_NODES), (0, 0)))

    deg = _deg_kernel(dst_p)
    deg_a, deg_b = deg[0], deg[1]

    ys0, ys1 = _scale_call(x_pad, W_conv, deg_a, deg_b)

    acc = _scatter_kernel(src_p, dst_p, ys0, ys1)

    out = _head_call(acc[0], acc[1], ys0, ys1, x_pad, deg_a, deg_b,
                     b_conv.reshape(1, D_FEAT),
                     W1, b1.reshape(1, 32),
                     W2, b2.reshape(1, 32),
                     W3, b3.reshape(1, 1))
    return out[:N_NODES]

# --- scband reference (transcript-rebuilt; emitter-appended) ---
"""Pipeline reference for scband-gnnactor-33243046871254 (READ-ONLY COPY).

The authoritative reference and input builder live on the scoring server;
editing this copy changes nothing except your own understanding.
"""

import jax, jax.numpy as jnp
import numpy as np

N_NODES = 10000
D_FEAT = 128
N_EDGES = 320000


def setup_inputs(seed: int = 0) -> dict:
    key = jax.random.key(seed)
    ks = jax.random.split(key, 12)
    x = jax.random.normal(ks[0], (N_NODES, D_FEAT), dtype=jnp.float32)
    edge_index = jax.random.randint(ks[1], (2, N_EDGES), 0, N_NODES, dtype=jnp.int64)
    # GCNConv(in_channels=128, in_channels=128) weight + bias
    W_conv = jax.random.normal(ks[2], (D_FEAT, D_FEAT), dtype=jnp.float32) * (1.0 / np.sqrt(D_FEAT))
    b_conv = jnp.zeros((D_FEAT,), dtype=jnp.float32)
    # lin1: 128 -> 32
    W1 = jax.random.normal(ks[3], (D_FEAT, 32), dtype=jnp.float32) * (1.0 / np.sqrt(D_FEAT))
    b1 = jnp.zeros((32,), dtype=jnp.float32)
    # lin2: 32 -> 32
    W2 = jax.random.normal(ks[4], (32, 32), dtype=jnp.float32) * (1.0 / np.sqrt(32))
    b2 = jnp.zeros((32,), dtype=jnp.float32)
    # lin3: 32 -> 1
    W3 = jax.random.normal(ks[5], (32, 1), dtype=jnp.float32) * (1.0 / np.sqrt(32))
    b3 = jnp.zeros((1,), dtype=jnp.float32)
    return {"x": x, "edge_index": edge_index, "W_conv": W_conv, "b_conv": b_conv,
            "W1": W1, "b1": b1, "W2": W2, "b2": b2, "W3": W3, "b3": b3}


def _gcn_conv(x, edge_index, W, b):
    # PyG GCNConv: add self-loops, symmetric normalization D^-1/2 (A+I) D^-1/2, then XW + b
    n = x.shape[0]
    loop = jnp.arange(n, dtype=edge_index.dtype)
    src = jnp.concatenate([edge_index[0], loop])
    dst = jnp.concatenate([edge_index[1], loop])
    deg = jnp.zeros((n,), dtype=x.dtype).at[dst].add(1.0)
    deg_inv_sqrt = jnp.where(deg > 0, 1.0 / jnp.sqrt(deg), 0.0)
    norm = deg_inv_sqrt[src] * deg_inv_sqrt[dst]
    xw = x @ W
    msgs = xw[src] * norm[:, None]
    out = jnp.zeros((n, xw.shape[1]), dtype=x.dtype).at[dst].add(msgs)
    return out + b


def reference(x, edge_index, W_conv, b_conv, W1, b1, W2, b2, W3, b3):
    out = jax.nn.relu(_gcn_conv(x, edge_index, W_conv, b_conv))
    h = out + x
    h = jax.nn.relu(h @ W1 + b1)
    h = jax.nn.relu(h @ W2 + b2)
    h = h @ W3 + b3
    return h

if __name__ == "__main__":
    import jax
    _d = setup_inputs()
    print(jax.jit(kernel)(*tuple(_d.values())))

</pallas_src>

<mosaic_0001>
#map = affine_map<(d0, d1) -> (0, 0)>
#map1 = affine_map<(d0, d1) -> (0, 0, 0)>
module attributes {stable_mosaic.version = 14 : i64} {
  func.func @_deg_kernel(%arg0: i32, %arg1: i32, %arg2: memref<2560x128xi32, #tpu.memory_space<hbm>>, %arg3: memref<2x10240x16xf32, #tpu.memory_space<hbm>>, %arg4: memref<80x128xi32, #tpu.memory_space<vmem>>, %arg5: memref<128x16xf32, #tpu.memory_space<vmem>>, %arg6: memref<128x16xf32, #tpu.memory_space<vmem>>, %arg7: memref<10240x16xf32, #tpu.memory_space<vmem_shared>>) attributes {dimension_semantics = [#tpu.dimension_semantics<core_parallel>, #tpu.dimension_semantics<subcore_parallel>], iteration_bounds = array<i64: 2, 16>, scalar_prefetch = 0 : i64, scratch_operands = 4 : i64, tpu.core_type = #tpu.core_type<sc_vector_subcore>, window_params = [{transform_indices = #map}, {transform_indices = #map1}]} {
    %scan3A = arith.constant 0 : i32
    %scan3A_0 = arith.constant 128 : i32
    %scan3A_1 = arith.addi %scan3A, %scan3A_0 : i32
    %scan3A_2 = arith.constant 1 : i32
    scf.for %scan3A_25 = %scan3A to %scan3A_1 step %scan3A_2  : i32 {
      %broadcast_in_dim3A = arith.constant 1.000000e+00 : f32
      %broadcast_in_dim3A_26 = vector.broadcast %broadcast_in_dim3A : f32 to vector<16xf32>
      %swap3A = arith.index_cast %scan3A_25 : i32 to index
      %swap3A_27 = arith.constant 0 : index
      %swap3A_28 = tpu.vector_load %arg5[%swap3A, %swap3A_27] {strides = array<i32>} : memref<128x16xf32, #tpu.memory_space<vmem>>, vector<1x16xf32>,
      %swap3A_29 = vector.shape_cast %swap3A_28 : vector<1x16xf32> to vector<16xf32>
      %swap3A_30 = vector.shape_cast %broadcast_in_dim3A_26 : vector<16xf32> to vector<1x16xf32>
      tpu.vector_store %arg5[%swap3A, %swap3A_27], %swap3A_30 {strides = array<i32>} : memref<128x16xf32, #tpu.memory_space<vmem>>, vector<1x16xf32>,
      %broadcast_in_dim3A_31 = arith.constant 0.000000e+00 : f32
      %broadcast_in_dim3A_32 = vector.broadcast %broadcast_in_dim3A_31 : f32 to vector<16xf32>
      %swap3A_33 = arith.index_cast %scan3A_25 : i32 to index
      %swap3A_34 = arith.constant 0 : index
      %swap3A_35 = tpu.vector_load %arg6[%swap3A_33, %swap3A_34] {strides = array<i32>} : memref<128x16xf32, #tpu.memory_space<vmem>>, vector<1x16xf32>,
      %swap3A_36 = vector.shape_cast %swap3A_35 : vector<1x16xf32> to vector<16xf32>
      %swap3A_37 = vector.shape_cast %broadcast_in_dim3A_32 : vector<16xf32> to vector<1x16xf32>
      tpu.vector_store %arg6[%swap3A_33, %swap3A_34], %swap3A_37 {strides = array<i32>} : memref<128x16xf32, #tpu.memory_space<vmem>>, vector<1x16xf32>,
    }
    %scan3A_3 = arith.constant 128 : i32
    %mul3A = arith.constant 640 : i32
    %mul3A_4 = arith.muli %arg1, %mul3A : i32
    %add3A = arith.constant 0 : i32
    %add3A_5 = arith.addi %mul3A_4, %add3A : i32
    "tpu.region"() ({
      %run_scoped3A = tpu.sem_alloc : memref<!tpu.dma_semaphore, #tpu.memory_space<semaphore_mem>>
      %dma_start3A = arith.constant 0 : i32
      %dma_start3A_25 = tpu.memref_slice %arg7[%add3A_5, %dma_start3A] : memref<10240x16xf32, #tpu.memory_space<vmem_shared>> -> memref<128x16xf32, #tpu.memory_space<vmem_shared>>
      %dma_start3A_26 = arith.constant 0 : i32
      %dma_start3A_27 = tpu.memref_slice %arg7[%add3A_5, %dma_start3A_26] : memref<10240x16xf32, #tpu.memory_space<vmem_shared>> -> memref<128x16xf32, #tpu.memory_space<vmem_shared>>
      tpu.enqueue_dma source(%arg6 : memref<128x16xf32, #tpu.memory_space<vmem>>) target(%dma_start3A_27 : memref<128x16xf32, #tpu.memory_space<vmem_shared>>) target_semaphore(%run_scoped3A : memref<!tpu.dma_semaphore, #tpu.memory_space<semaphore_mem>>)
      %dma_wait3A = arith.constant 0 : i32
      %dma_wait3A_28 = tpu.memref_slice %arg7[%add3A_5, %dma_wait3A] : memref<10240x16xf32, #tpu.memory_space<vmem_shared>> -> memref<128x16xf32, #tpu.memory_space<vmem_shared>>
      %dma_wait3A_29 = arith.constant 0 : i32
      %dma_wait3A_30 = tpu.memref_slice %arg7[%add3A_5, %dma_wait3A_29] : memref<10240x16xf32, #tpu.memory_space<vmem_shared>> -> memref<128x16xf32, #tpu.memory_space<vmem_shared>>
      tpu.wait_dma2 semaphore(%run_scoped3A : memref<!tpu.dma_semaphore, #tpu.memory_space<semaphore_mem>>) src(%arg6 : memref<128x16xf32, #tpu.memory_space<vmem>>) dst(%dma_wait3A_30 : memref<128x16xf32, #tpu.memory_space<vmem_shared>>)
      tpu.yield
    }) : () -> ()
    %add3A_6 = arith.constant 128 : i32
    %add3A_7 = arith.addi %mul3A_4, %add3A_6 : i32
    "tpu.region"() ({
      %run_scoped3A = tpu.sem_alloc : memref<!tpu.dma_semaphore, #tpu.memory_space<semaphore_mem>>
      %dma_start3A = arith.constant 0 : i32
      %dma_start3A_25 = tpu.memref_slice %arg7[%add3A_7, %dma_start3A] : memref<10240x16xf32, #tpu.memory_space<vmem_shared>> -> memref<128x16xf32, #tpu.memory_space<vmem_shared>>
      %dma_start3A_26 = arith.constant 0 : i32
      %dma_start3A_27 = tpu.memref_slice %arg7[%add3A_7, %dma_start3A_26] : memref<10240x16xf32, #tpu.memory_space<vmem_shared>> -> memref<128x16xf32, #tpu.memory_space<vmem_shared>>
      tpu.enqueue_dma source(%arg6 : memref<128x16xf32, #tpu.memory_space<vmem>>) target(%dma_start3A_27 : memref<128x16xf32, #tpu.memory_space<vmem_shared>>) target_semaphore(%run_scoped3A : memref<!tpu.dma_semaphore, #tpu.memory_space<semaphore_mem>>)
      %dma_wait3A = arith.constant 0 : i32
      %dma_wait3A_28 = tpu.memref_slice %arg7[%add3A_7, %dma_wait3A] : memref<10240x16xf32, #tpu.memory_space<vmem_shared>> -> memref<128x16xf32, #tpu.memory_space<vmem_shared>>
      %dma_wait3A_29 = arith.constant 0 : i32
      %dma_wait3A_30 = tpu.memref_slice %arg7[%add3A_7, %dma_wait3A_29] : memref<10240x16xf32, #tpu.memory_space<vmem_shared>> -> memref<128x16xf32, #tpu.memory_space<vmem_shared>>
      tpu.wait_dma2 semaphore(%run_scoped3A : memref<!tpu.dma_semaphore, #tpu.memory_space<semaphore_mem>>) src(%arg6 : memref<128x16xf32, #tpu.memory_space<vmem>>) dst(%dma_wait3A_30 : memref<128x16xf32, #tpu.memory_space<vmem_shared>>)
      tpu.yield
    }) : () -> ()
    %add3A_8 = arith.constant 256 : i32
    %add3A_9 = arith.addi %mul3A_4, %add3A_8 : i32
    "tpu.region"() ({
      %run_scoped3A = tpu.sem_alloc : memref<!tpu.dma_semaphore, #tpu.memory_space<semaphore_mem>>
      %dma_start3A = arith.constant 0 : i32
      %dma_start3A_25 = tpu.memref_slice %arg7[%add3A_9, %dma_start3A] : memref<10240x16xf32, #tpu.memory_space<vmem_shared>> -> memref<128x16xf32, #tpu.memory_space<vmem_shared>>
      %dma_start3A_26 = arith.constant 0 : i32
      %dma_start3A_27 = tpu.memref_slice %arg7[%add3A_9, %dma_start3A_26] : memref<10240x16xf32, #tpu.memory_space<vmem_shared>> -> memref<128x16xf32, #tpu.memory_space<vmem_shared>>
      tpu.enqueue_dma source(%arg6 : memref<128x16xf32, #tpu.memory_space<vmem>>) target(%dma_start3A_27 : memref<128x16xf32, #tpu.memory_space<vmem_shared>>) target_semaphore(%run_scoped3A : memref<!tpu.dma_semaphore, #tpu.memory_space<semaphore_mem>>)
      %dma_wait3A = arith.constant 0 : i32
      %dma_wait3A_28 = tpu.memref_slice %arg7[%add3A_9, %dma_wait3A] : memref<10240x16xf32, #tpu.memory_space<vmem_shared>> -> memref<128x16xf32, #tpu.memory_space<vmem_shared>>
      %dma_wait3A_29 = arith.constant 0 : i32
      %dma_wait3A_30 = tpu.memref_slice %arg7[%add3A_9, %dma_wait3A_29] : memref<10240x16xf32, #tpu.memory_space<vmem_shared>> -> memref<128x16xf32, #tpu.memory_space<vmem_shared>>
      tpu.wait_dma2 semaphore(%run_scoped3A : memref<!tpu.dma_semaphore, #tpu.memory_space<semaphore_mem>>) src(%arg6 : memref<128x16xf32, #tpu.memory_space<vmem>>) dst(%dma_wait3A_30 : memref<128x16xf32, #tpu.memory_space<vmem_shared>>)
      tpu.yield
    }) : () -> ()
    %add3A_10 = arith.constant 384 : i32
    %add3A_11 = arith.addi %mul3A_4, %add3A_10 : i32
    "tpu.region"() ({
      %run_scoped3A = tpu.sem_alloc : memref<!tpu.dma_semaphore, #tpu.memory_space<semaphore_mem>>
      %dma_start3A = arith.constant 0 : i32
      %dma_start3A_25 = tpu.memref_slice %arg7[%add3A_11, %dma_start3A] : memref<10240x16xf32, #tpu.memory_space<vmem_shared>> -> memref<128x16xf32, #tpu.memory_space<vmem_shared>>
      %dma_start3A_26 = arith.constant 0 : i32
      %dma_start3A_27 = tpu.memref_slice %arg7[%add3A_11, %dma_start3A_26] : memref<10240x16xf32, #tpu.memory_space<vmem_shared>> -> memref<128x16xf32, #tpu.memory_space<vmem_shared>>
      tpu.enqueue_dma source(%arg6 : memref<128x16xf32, #tpu.memory_space<vmem>>) target(%dma_start3A_27 : memref<128x16xf32, #tpu.memory_space<vmem_shared>>) target_semaphore(%run_scoped3A : memref<!tpu.dma_semaphore, #tpu.memory_space<semaphore_mem>>)
      %dma_wait3A = arith.constant 0 : i32
      %dma_wait3A_28 = tpu.memref_slice %arg7[%add3A_11, %dma_wait3A] : memref<10240x16xf32, #tpu.memory_space<vmem_shared>> -> memref<128x16xf32, #tpu.memory_space<vmem_shared>>
      %dma_wait3A_29 = arith.constant 0 : i32
      %dma_wait3A_30 = tpu.memref_slice %arg7[%add3A_11, %dma_wait3A_29] : memref<10240x16xf32, #tpu.memory_space<vmem_shared>> -> memref<128x16xf32, #tpu.memory_space<vmem_shared>>
      tpu.wait_dma2 semaphore(%run_scoped3A : memref<!tpu.dma_semaphore, #tpu.memory_space<semaphore_mem>>) src(%arg6 : memref<128x16xf32, #tpu.memory_space<vmem>>) dst(%dma_wait3A_30 : memref<128x16xf32, #tpu.memory_space<vmem_shared>>)
      tpu.yield
    }) : () -> ()
    %add3A_12 = arith.constant 512 : i32
    %add3A_13 = arith.addi %mul3A_4, %add3A_12 : i32
    "tpu.region"() ({
      %run_scoped3A = tpu.sem_alloc : memref<!tpu.dma_semaphore, #tpu.memory_space<semaphore_mem>>
      %dma_start3A = arith.constant 0 : i32
      %dma_start3A_25 = tpu.memref_slice %arg7[%add3A_13, %dma_start3A] : memref<10240x16xf32, #tpu.memory_space<vmem_shared>> -> memref<128x16xf32, #tpu.memory_space<vmem_shared>>
      %dma_start3A_26 = arith.constant 0 : i32
      %dma_start3A_27 = tpu.memref_slice %arg7[%add3A_13, %dma_start3A_26] : memref<10240x16xf32, #tpu.memory_space<vmem_shared>> -> memref<128x16xf32, #tpu.memory_space<vmem_shared>>
      tpu.enqueue_dma source(%arg6 : memref<128x16xf32, #tpu.memory_space<vmem>>) target(%dma_start3A_27 : memref<128x16xf32, #tpu.memory_space<vmem_shared>>) target_semaphore(%run_scoped3A : memref<!tpu.dma_semaphore, #tpu.memory_space<semaphore_mem>>)
      %dma_wait3A = arith.constant 0 : i32
      %dma_wait3A_28 = tpu.memref_slice %arg7[%add3A_13, %dma_wait3A] : memref<10240x16xf32, #tpu.memory_space<vmem_shared>> -> memref<128x16xf32, #tpu.memory_space<vmem_shared>>
      %dma_wait3A_29 = arith.constant 0 : i32
      %dma_wait3A_30 = tpu.memref_slice %arg7[%add3A_13, %dma_wait3A_29] : memref<10240x16xf32, #tpu.memory_space<vmem_shared>> -> memref<128x16xf32, #tpu.memory_space<vmem_shared>>
      tpu.wait_dma2 semaphore(%run_scoped3A : memref<!tpu.dma_semaphore, #tpu.memory_space<semaphore_mem>>) src(%arg6 : memref<128x16xf32, #tpu.memory_space<vmem>>) dst(%dma_wait3A_30 : memref<128x16xf32, #tpu.memory_space<vmem_shared>>)
      tpu.yield
    }) : () -> ()
    %barrier3A = arith.constant 0 : index
    tpu.barrier barrier_id(%barrier3A)
    %mul3A_14 = arith.constant 1280 : i32
    %mul3A_15 = arith.muli %arg0, %mul3A_14 : i32
    %mul3A_16 = arith.constant 80 : i32
    %mul3A_17 = arith.muli %arg1, %mul3A_16 : i32
    %add3A_18 = arith.addi %mul3A_15, %mul3A_17 : i32
    "tpu.region"() ({
      %run_scoped3A = tpu.sem_alloc : memref<!tpu.dma_semaphore, #tpu.memory_space<semaphore_mem>>
      %dma_start3A = arith.constant 0 : i32
      %dma_start3A_25 = tpu.memref_slice %arg2[%add3A_18, %dma_start3A] : memref<2560x128xi32, #tpu.memory_space<hbm>> -> memref<80x128xi32, #tpu.memory_space<hbm>>
      %dma_start3A_26 = arith.constant 0 : i32
      %dma_start3A_27 = tpu.memref_slice %arg2[%add3A_18, %dma_start3A_26] : memref<2560x128xi32, #tpu.memory_space<hbm>> -> memref<80x128xi32, #tpu.memory_space<hbm>>
      tpu.enqueue_dma source(%dma_start3A_27 : memref<80x128xi32, #tpu.memory_space<hbm>>) target(%arg4 : memref<80x128xi32, #tpu.memory_space<vmem>>) target_semaphore(%run_scoped3A : memref<!tpu.dma_semaphore, #tpu.memory_space<semaphore_mem>>)
      %dma_wait3A = arith.constant 0 : i32
      %dma_wait3A_28 = tpu.memref_slice %arg2[%add3A_18, %dma_wait3A] : memref<2560x128xi32, #tpu.memory_space<hbm>> -> memref<80x128xi32, #tpu.memory_space<hbm>>
      %dma_wait3A_29 = arith.constant 0 : i32
      %dma_wait3A_30 = tpu.memref_slice %arg2[%add3A_18, %dma_wait3A_29] : memref<2560x128xi32, #tpu.memory_space<hbm>> -> memref<80x128xi32, #tpu.memory_space<hbm>>
      tpu.wait_dma2 semaphore(%run_scoped3A : memref<!tpu.dma_semaphore, #tpu.memory_space<semaphore_mem>>) src(%dma_wait3A_30 : memref<80x128xi32, #tpu.memory_space<hbm>>) dst(%arg4 : memref<80x128xi32, #tpu.memory_space<vmem>>)
      tpu.yield
    }) : () -> ()
    %scan3A_19 = arith.constant 0 : i32
    %scan3A_20 = arith.constant 80 : i32
    %scan3A_21 = arith.addi %scan3A_19, %scan3A_20 : i32
    %scan3A_22 = arith.constant 1 : i32
    scf.for %scan3A_25 = %scan3A_19 to %scan3A_21 step %scan3A_22  : i32 {
      "tpu.region"() ({
        %run_scoped3A = tpu.sem_alloc : memref<!tpu.dma_semaphore, #tpu.memory_space<semaphore_mem>>
        %dma_start3A = arith.constant 0 : i32
        %dma_start3A_26 = tpu.memref_slice %arg4[%scan3A_25, %dma_start3A] : memref<80x128xi32, #tpu.memory_space<vmem>> -> memref<1x128xi32, #tpu.memory_space<vmem>>
        %dma_start3A_27 = tpu.memref_squeeze %dma_start3A_26 : memref<1x128xi32, #tpu.memory_space<vmem>> -> memref<128xi32, #tpu.memory_space<vmem>>
        %dma_start3A_28 = arith.constant 0 : i32
        %dma_start3A_29 = arith.constant 0 : i32
        %dma_start3A_30 = tpu.memref_slice %arg7[%dma_start3A_28, %dma_start3A_29] : memref<10240x16xf32, #tpu.memory_space<vmem_shared>> -> memref<10240x16xf32, #tpu.memory_space<vmem_shared>>
        tpu.enqueue_indirect_dma source(%arg5 : memref<128x16xf32, #tpu.memory_space<vmem>>) target(%dma_start3A_30 : memref<10240x16xf32, #tpu.memory_space<vmem_shared>>) offsets(%dma_start3A_27 : memref<128xi32, #tpu.memory_space<vmem>>) semaphore(%run_scoped3A : memref<!tpu.dma_semaphore, #tpu.memory_space<semaphore_mem>>) {add = true}
        %dma_wait3A = arith.constant 0 : i32
        %dma_wait3A_31 = tpu.memref_slice %arg4[%scan3A_25, %dma_wait3A] : memref<80x128xi32, #tpu.memory_space<vmem>> -> memref<1x128xi32, #tpu.memory_space<vmem>>
        %dma_wait3A_32 = tpu.memref_squeeze %dma_wait3A_31 : memref<1x128xi32, #tpu.memory_space<vmem>> -> memref<128xi32, #tpu.memory_space<vmem>>
        %dma_wait3A_33 = arith.constant 0 : i32
        %dma_wait3A_34 = arith.constant 0 : i32
        %dma_wait3A_35 = tpu.memref_slice %arg7[%dma_wait3A_33, %dma_wait3A_34] : memref<10240x16xf32, #tpu.memory_space<vmem_shared>> -> memref<10240x16xf32, #tpu.memory_space<vmem_shared>>
        tpu.wait_indirect_dma semaphore(%run_scoped3A : memref<!tpu.dma_semaphore, #tpu.memory_space<semaphore_mem>>) src(%arg5 : memref<128x16xf32, #tpu.memory_space<vmem>>) dst(%dma_wait3A_35 : memref<10240x16xf32, #tpu.memory_space<vmem_shared>>)
        tpu.yield
      }) : () -> ()
    }
    %scan3A_23 = arith.constant 80 : i32
    %barrier3A_24 = arith.constant 0 : index
    tpu.barrier barrier_id(%barrier3A_24)
    "tpu.region"() ({
      %run_scoped3A = tpu.sem_alloc : memref<!tpu.dma_semaphore, #tpu.memory_space<semaphore_mem>>
      %dma_start3A = arith.constant 0 : i32
      %dma_start3A_25 = tpu.memref_slice %arg3[%arg0, %mul3A_4, %dma_start3A] : memref<2x10240x16xf32, #tpu.memory_space<hbm>> -> memref<1x640x16xf32, #tpu.memory_space<hbm>>
      %dma_start3A_26 = tpu.memref_squeeze %dma_start3A_25 : memref<1x640x16xf32, #tpu.memory_space<hbm>> -> memref<640x16xf32, #tpu.memory_space<hbm>>
      %dma_start3A_27 = arith.constant 0 : i32
      %dma_start3A_28 = tpu.memref_slice %arg7[%mul3A_4, %dma_start3A_27] : memref<10240x16xf32, #tpu.memory_space<vmem_shared>> -> memref<640x16xf32, #tpu.memory_space<vmem_shared>>
      tpu.enqueue_dma source(%dma_start3A_28 : memref<640x16xf32, #tpu.memory_space<vmem_shared>>) target(%dma_start3A_26 : memref<640x16xf32, #tpu.memory_space<hbm>>) target_semaphore(%run_scoped3A : memref<!tpu.dma_semaphore, #tpu.memory_space<semaphore_mem>>)
      %dma_wait3A = arith.constant 0 : i32
      %dma_wait3A_29 = tpu.memref_slice %arg3[%arg0, %mul3A_4, %dma_wait3A] : memref<2x10240x16xf32, #tpu.memory_space<hbm>> -> memref<1x640x16xf32, #tpu.memory_space<hbm>>
      %dma_wait3A_30 = tpu.memref_squeeze %dma_wait3A_29 : memref<1x640x16xf32, #tpu.memory_space<hbm>> -> memref<640x16xf32, #tpu.memory_space<hbm>>
      %dma_wait3A_31 = arith.constant 0 : i32
      %dma_wait3A_32 = tpu.memref_slice %arg7[%mul3A_4, %dma_wait3A_31] : memref<10240x16xf32, #tpu.memory_space<vmem_shared>> -> memref<640x16xf32, #tpu.memory_space<vmem_shared>>
      tpu.wait_dma2 semaphore(%run_scoped3A : memref<!tpu.dma_semaphore, #tpu.memory_space<semaphore_mem>>) src(%dma_wait3A_32 : memref<640x16xf32, #tpu.memory_space<vmem_shared>>) dst(%dma_wait3A_30 : memref<640x16xf32, #tpu.memory_space<hbm>>)
      tpu.yield
    }) : () -> ()
    return
  }
}

#map = affine_map<(d0, d1) -> (0, 0)>
#map1 = affine_map<(d0, d1) -> (0, 0, 0)>
module attributes {stable_mosaic.version = 14 : i64} {
  func.func @_scatter_kernel(%arg0: i32, %arg1: i32, %arg2: memref<2560x128xi32, #tpu.memory_space<hbm>>, %arg3: memref<2560x128xi32, #tpu.memory_space<hbm>>, %arg4: memref<10240x64xf32, #tpu.memory_space<hbm>>, %arg5: memref<10240x64xf32, #tpu.memory_space<hbm>>, %arg6: memref<2x10240x64xf32, #tpu.memory_space<hbm>>, %arg7: memref<160x128xi32, #tpu.memory_space<vmem>>, %arg8: memref<160x128xi32, #tpu.memory_space<vmem>>, %arg9: memref<128x64xf32, #tpu.memory_space<vmem>>, %arg10: memref<128x64xf32, #tpu.memory_space<vmem>>, %arg11: memref<10240x64xf32, #tpu.memory_space<vmem_shared>>, %arg12: memref<!tpu.dma_semaphore, #tpu.memory_space<semaphore_mem>>) attributes {dimension_semantics = [#tpu.dimension_semantics<core_parallel>, #tpu.dimension_semantics<subcore_parallel>], iteration_bounds = array<i64: 2, 16>, scalar_prefetch = 0 : i64, scratch_operands = 6 : i64, tpu.core_type = #tpu.core_type<sc_vector_subcore>, window_params = [{transform_indices = #map}, {transform_indices = #map}, {transform_indices = #map}, {transform_indices = #map}, {transform_indices = #map1}]} {
    %scan3A = arith.constant 0 : i32
    %scan3A_0 = arith.constant 128 : i32
    %scan3A_1 = arith.addi %scan3A, %scan3A_0 : i32
    %scan3A_2 = arith.constant 1 : i32
    scf.for %scan3A_24 = %scan3A to %scan3A_1 step %scan3A_2  : i32 {
      %broadcast_in_dim3A = arith.constant 0.000000e+00 : f32
      %broadcast_in_dim3A_25 = vector.broadcast %broadcast_in_dim3A : f32 to vector<16xf32>
      %swap3A = arith.index_cast %scan3A_24 : i32 to index
      %swap3A_26 = arith.constant 0 : index
      %swap3A_27 = tpu.vector_load %arg10[%swap3A, %swap3A_26] {strides = array<i32>} : memref<128x64xf32, #tpu.memory_space<vmem>>, vector<1x16xf32>,
      %swap3A_28 = vector.shape_cast %swap3A_27 : vector<1x16xf32> to vector<16xf32>
      %swap3A_29 = vector.shape_cast %broadcast_in_dim3A_25 : vector<16xf32> to vector<1x16xf32>
      tpu.vector_store %arg10[%swap3A, %swap3A_26], %swap3A_29 {strides = array<i32>} : memref<128x64xf32, #tpu.memory_space<vmem>>, vector<1x16xf32>,
      %broadcast_in_dim3A_30 = arith.constant 0.000000e+00 : f32
      %broadcast_in_dim3A_31 = vector.broadcast %broadcast_in_dim3A_30 : f32 to vector<16xf32>
      %swap3A_32 = arith.index_cast %scan3A_24 : i32 to index
      %swap3A_33 = arith.constant 16 : index
      %swap3A_34 = tpu.vector_load %arg10[%swap3A_32, %swap3A_33] {strides = array<i32>} : memref<128x64xf32, #tpu.memory_space<vmem>>, vector<1x16xf32>,
      %swap3A_35 = vector.shape_cast %swap3A_34 : vector<1x16xf32> to vector<16xf32>
      %swap3A_36 = vector.shape_cast %broadcast_in_dim3A_31 : vector<16xf32> to vector<1x16xf32>
      tpu.vector_store %arg10[%swap3A_32, %swap3A_33], %swap3A_36 {strides = array<i32>} : memref<128x64xf32, #tpu.memory_space<vmem>>, vector<1x16xf32>,
      %broadcast_in_dim3A_37 = arith.constant 0.000000e+00 : f32
      %broadcast_in_dim3A_38 = vector.broadcast %broadcast_in_dim3A_37 : f32 to vector<16xf32>
      %swap3A_39 = arith.index_cast %scan3A_24 : i32 to index
      %swap3A_40 = arith.constant 32 : index
      %swap3A_41 = tpu.vector_load %arg10[%swap3A_39, %swap3A_40] {strides = array<i32>} : memref<128x64xf32, #tpu.memory_space<vmem>>, vector<1x16xf32>,
      %swap3A_42 = vector.shape_cast %swap3A_41 : vector<1x16xf32> to vector<16xf32>
      %swap3A_43 = vector.shape_cast %broadcast_in_dim3A_38 : vector<16xf32> to vector<1x16xf32>
      tpu.vector_store %arg10[%swap3A_39, %swap3A_40], %swap3A_43 {strides = array<i32>} : memref<128x64xf32, #tpu.memory_space<vmem>>, vector<1x16xf32>,
      %broadcast_in_dim3A_44 = arith.constant 0.000000e+00 : f32
      %broadcast_in_dim3A_45 = vector.broadcast %broadcast_in_dim3A_44 : f32 to vector<16xf32>
      %swap3A_46 = arith.index_cast %scan3A_24 : i32 to index
      %swap3A_47 = arith.constant 48 : index
      %swap3A_48 = tpu.vector_load %arg10[%swap3A_46, %swap3A_47] {strides = array<i32>} : memref<128x64xf32, #tpu.memory_space<vmem>>, vector<1x16xf32>,
      %swap3A_49 = vector.shape_cast %swap3A_48 : vector<1x16xf32> to vector<16xf32>
      %swap3A_50 = vector.shape_cast %broadcast_in_dim3A_45 : vector<16xf32> to vector<1x16xf32>
      tpu.vector_store %arg10[%swap3A_46, %swap3A_47], %swap3A_50 {strides = array<i32>} : memref<128x64xf32, #tpu.memory_space<vmem>>, vector<1x16xf32>,
    }
    %scan3A_3 = arith.constant 128 : i32
    %mul3A = arith.constant 640 : i32
    %mul3A_4 = arith.muli %arg1, %mul3A : i32
    %add3A = arith.constant 0 : i32
    %add3A_5 = arith.addi %mul3A_4, %add3A : i32
    "tpu.region"() ({
      %run_scoped3A = tpu.sem_alloc : memref<!tpu.dma_semaphore, #tpu.memory_space<semaphore_mem>>
      %dma_start3A = arith.constant 0 : i32
      %dma_start3A_24 = tpu.memref_slice %arg11[%add3A_5, %dma_start3A] : memref<10240x64xf32, #tpu.memory_space<vmem_shared>> -> memref<128x64xf32, #tpu.memory_space<vmem_shared>>
      %dma_start3A_25 = arith.constant 0 : i32
      %dma_start3A_26 = tpu.memref_slice %arg11[%add3A_5, %dma_start3A_25] : memref<10240x64xf32, #tpu.memory_space<vmem_shared>> -> memref<128x64xf32, #tpu.memory_space<vmem_shared>>
      tpu.enqueue_dma source(%arg10 : memref<128x64xf32, #tpu.memory_space<vmem>>) target(%dma_start3A_26 : memref<128x64xf32, #tpu.memory_space<vmem_shared>>) target_semaphore(%run_scoped3A : memref<!tpu.dma_semaphore, #tpu.memory_space<semaphore_mem>>)
      %dma_wait3A = arith.constant 0 : i32
      %dma_wait3A_27 = tpu.memref_slice %arg11[%add3A_5, %dma_wait3A] : memref<10240x64xf32, #tpu.memory_space<vmem_shared>> -> memref<128x64xf32, #tpu.memory_space<vmem_shared>>
      %dma_wait3A_28 = arith.constant 0 : i32
      %dma_wait3A_29 = tpu.memref_slice %arg11[%add3A_5, %dma_wait3A_28] : memref<10240x64xf32, #tpu.memory_space<vmem_shared>> -> memref<128x64xf32, #tpu.memory_space<vmem_shared>>
      tpu.wait_dma2 semaphore(%run_scoped3A : memref<!tpu.dma_semaphore, #tpu.memory_space<semaphore_mem>>) src(%arg10 : memref<128x64xf32, #tpu.memory_space<vmem>>) dst(%dma_wait3A_29 : memref<128x64xf32, #tpu.memory_space<vmem_shared>>)
      tpu.yield
    }) : () -> ()
    %add3A_6 = arith.constant 128 : i32
    %add3A_7 = arith.addi %mul3A_4, %add3A_6 : i32
    "tpu.region"() ({
      %run_scoped3A = tpu.sem_alloc : memref<!tpu.dma_semaphore, #tpu.memory_space<semaphore_mem>>
      %dma_start3A = arith.constant 0 : i32
      %dma_start3A_24 = tpu.memref_slice %arg11[%add3A_7, %dma_start3A] : memref<10240x64xf32, #tpu.memory_space<vmem_shared>> -> memref<128x64xf32, #tpu.memory_space<vmem_shared>>
      %dma_start3A_25 = arith.constant 0 : i32
      %dma_start3A_26 = tpu.memref_slice %arg11[%add3A_7, %dma_start3A_25] : memref<10240x64xf32, #tpu.memory_space<vmem_shared>> -> memref<128x64xf32, #tpu.memory_space<vmem_shared>>
      tpu.enqueue_dma source(%arg10 : memref<128x64xf32, #tpu.memory_space<vmem>>) target(%dma_start3A_26 : memref<128x64xf32, #tpu.memory_space<vmem_shared>>) target_semaphore(%run_scoped3A : memref<!tpu.dma_semaphore, #tpu.memory_space<semaphore_mem>>)
      %dma_wait3A = arith.constant 0 : i32
      %dma_wait3A_27 = tpu.memref_slice %arg11[%add3A_7, %dma_wait3A] : memref<10240x64xf32, #tpu.memory_space<vmem_shared>> -> memref<128x64xf32, #tpu.memory_space<vmem_shared>>
      %dma_wait3A_28 = arith.constant 0 : i32
      %dma_wait3A_29 = tpu.memref_slice %arg11[%add3A_7, %dma_wait3A_28] : memref<10240x64xf32, #tpu.memory_space<vmem_shared>> -> memref<128x64xf32, #tpu.memory_space<vmem_shared>>
      tpu.wait_dma2 semaphore(%run_scoped3A : memref<!tpu.dma_semaphore, #tpu.memory_space<semaphore_mem>>) src(%arg10 : memref<128x64xf32, #tpu.memory_space<vmem>>) dst(%dma_wait3A_29 : memref<128x64xf32, #tpu.memory_space<vmem_shared>>)
      tpu.yield
    }) : () -> ()
    %add3A_8 = arith.constant 256 : i32
    %add3A_9 = arith.addi %mul3A_4, %add3A_8 : i32
    "tpu.region"() ({
      %run_scoped3A = tpu.sem_alloc : memref<!tpu.dma_semaphore, #tpu.memory_space<semaphore_mem>>
      %dma_start3A = arith.constant 0 : i32
      %dma_start3A_24 = tpu.memref_slice %arg11[%add3A_9, %dma_start3A] : memref<10240x64xf32, #tpu.memory_space<vmem_shared>> -> memref<128x64xf32, #tpu.memory_space<vmem_shared>>
      %dma_start3A_25 = arith.constant 0 : i32
      %dma_start3A_26 = tpu.memref_slice %arg11[%add3A_9, %dma_start3A_25] : memref<10240x64xf32, #tpu.memory_space<vmem_shared>> -> memref<128x64xf32, #tpu.memory_space<vmem_shared>>
      tpu.enqueue_dma source(%arg10 : memref<128x64xf32, #tpu.memory_space<vmem>>) target(%dma_start3A_26 : memref<128x64xf32, #tpu.memory_space<vmem_shared>>) target_semaphore(%run_scoped3A : memref<!tpu.dma_semaphore, #tpu.memory_space<semaphore_mem>>)
      %dma_wait3A = arith.constant 0 : i32
      %dma_wait3A_27 = tpu.memref_slice %arg11[%add3A_9, %dma_wait3A] : memref<10240x64xf32, #tpu.memory_space<vmem_shared>> -> memref<128x64xf32, #tpu.memory_space<vmem_shared>>
      %dma_wait3A_28 = arith.constant 0 : i32
      %dma_wait3A_29 = tpu.memref_slice %arg11[%add3A_9, %dma_wait3A_28] : memref<10240x64xf32, #tpu.memory_space<vmem_shared>> -> memref<128x64xf32, #tpu.memory_space<vmem_shared>>
      tpu.wait_dma2 semaphore(%run_scoped3A : memref<!tpu.dma_semaphore, #tpu.memory_space<semaphore_mem>>) src(%arg10 : memref<128x64xf32, #tpu.memory_space<vmem>>) dst(%dma_wait3A_29 : memref<128x64xf32, #tpu.memory_space<vmem_shared>>)
      tpu.yield
    }) : () -> ()
    %add3A_10 = arith.constant 384 : i32
    %add3A_11 = arith.addi %mul3A_4, %add3A_10 : i32
    "tpu.region"() ({
      %run_scoped3A = tpu.sem_alloc : memref<!tpu.dma_semaphore, #tpu.memory_space<semaphore_mem>>
      %dma_start3A = arith.constant 0 : i32
      %dma_start3A_24 = tpu.memref_slice %arg11[%add3A_11, %dma_start3A] : memref<10240x64xf32, #tpu.memory_space<vmem_shared>> -> memref<128x64xf32, #tpu.memory_space<vmem_shared>>
      %dma_start3A_25 = arith.constant 0 : i32
      %dma_start3A_26 = tpu.memref_slice %arg11[%add3A_11, %dma_start3A_25] : memref<10240x64xf32, #tpu.memory_space<vmem_shared>> -> memref<128x64xf32, #tpu.memory_space<vmem_shared>>
      tpu.enqueue_dma source(%arg10 : memref<128x64xf32, #tpu.memory_space<vmem>>) target(%dma_start3A_26 : memref<128x64xf32, #tpu.memory_space<vmem_shared>>) target_semaphore(%run_scoped3A : memref<!tpu.dma_semaphore, #tpu.memory_space<semaphore_mem>>)
      %dma_wait3A = arith.constant 0 : i32
      %dma_wait3A_27 = tpu.memref_slice %arg11[%add3A_11, %dma_wait3A] : memref<10240x64xf32, #tpu.memory_space<vmem_shared>> -> memref<128x64xf32, #tpu.memory_space<vmem_shared>>
      %dma_wait3A_28 = arith.constant 0 : i32
      %dma_wait3A_29 = tpu.memref_slice %arg11[%add3A_11, %dma_wait3A_28] : memref<10240x64xf32, #tpu.memory_space<vmem_shared>> -> memref<128x64xf32, #tpu.memory_space<vmem_shared>>
      tpu.wait_dma2 semaphore(%run_scoped3A : memref<!tpu.dma_semaphore, #tpu.memory_space<semaphore_mem>>) src(%arg10 : memref<128x64xf32, #tpu.memory_space<vmem>>) dst(%dma_wait3A_29 : memref<128x64xf32, #tpu.memory_space<vmem_shared>>)
      tpu.yield
    }) : () -> ()
    %add3A_12 = arith.constant 512 : i32
    %add3A_13 = arith.addi %mul3A_4, %add3A_12 : i32
    "tpu.region"() ({
      %run_scoped3A = tpu.sem_alloc : memref<!tpu.dma_semaphore, #tpu.memory_space<semaphore_mem>>
      %dma_start3A = arith.constant 0 : i32
      %dma_start3A_24 = tpu.memref_slice %arg11[%add3A_13, %dma_start3A] : memref<10240x64xf32, #tpu.memory_space<vmem_shared>> -> memref<128x64xf32, #tpu.memory_space<vmem_shared>>
      %dma_start3A_25 = arith.constant 0 : i32
      %dma_start3A_26 = tpu.memref_slice %arg11[%add3A_13, %dma_start3A_25] : memref<10240x64xf32, #tpu.memory_space<vmem_shared>> -> memref<128x64xf32, #tpu.memory_space<vmem_shared>>
      tpu.enqueue_dma source(%arg10 : memref<128x64xf32, #tpu.memory_space<vmem>>) target(%dma_start3A_26 : memref<128x64xf32, #tpu.memory_space<vmem_shared>>) target_semaphore(%run_scoped3A : memref<!tpu.dma_semaphore, #tpu.memory_space<semaphore_mem>>)
      %dma_wait3A = arith.constant 0 : i32
      %dma_wait3A_27 = tpu.memref_slice %arg11[%add3A_13, %dma_wait3A] : memref<10240x64xf32, #tpu.memory_space<vmem_shared>> -> memref<128x64xf32, #tpu.memory_space<vmem_shared>>
      %dma_wait3A_28 = arith.constant 0 : i32
      %dma_wait3A_29 = tpu.memref_slice %arg11[%add3A_13, %dma_wait3A_28] : memref<10240x64xf32, #tpu.memory_space<vmem_shared>> -> memref<128x64xf32, #tpu.memory_space<vmem_shared>>
      tpu.wait_dma2 semaphore(%run_scoped3A : memref<!tpu.dma_semaphore, #tpu.memory_space<semaphore_mem>>) src(%arg10 : memref<128x64xf32, #tpu.memory_space<vmem>>) dst(%dma_wait3A_29 : memref<128x64xf32, #tpu.memory_space<vmem_shared>>)
      tpu.yield
    }) : () -> ()
    %barrier3A = arith.constant 0 : index
    tpu.barrier barrier_id(%barrier3A)
    %mul3A_14 = arith.constant 160 : i32
    %mul3A_15 = arith.muli %arg1, %mul3A_14 : i32
    "tpu.region"() ({
      %run_scoped3A = tpu.sem_alloc : memref<!tpu.dma_semaphore, #tpu.memory_space<semaphore_mem>>
      %dma_start3A = arith.constant 0 : i32
      %dma_start3A_24 = tpu.memref_slice %arg2[%mul3A_15, %dma_start3A] : memref<2560x128xi32, #tpu.memory_space<hbm>> -> memref<160x128xi32, #tpu.memory_space<hbm>>
      %dma_start3A_25 = arith.constant 0 : i32
      %dma_start3A_26 = tpu.memref_slice %arg2[%mul3A_15, %dma_start3A_25] : memref<2560x128xi32, #tpu.memory_space<hbm>> -> memref<160x128xi32, #tpu.memory_space<hbm>>
      tpu.enqueue_dma source(%dma_start3A_26 : memref<160x128xi32, #tpu.memory_space<hbm>>) target(%arg7 : memref<160x128xi32, #tpu.memory_space<vmem>>) target_semaphore(%run_scoped3A : memref<!tpu.dma_semaphore, #tpu.memory_space<semaphore_mem>>)
      %dma_wait3A = arith.constant 0 : i32
      %dma_wait3A_27 = tpu.memref_slice %arg2[%mul3A_15, %dma_wait3A] : memref<2560x128xi32, #tpu.memory_space<hbm>> -> memref<160x128xi32, #tpu.memory_space<hbm>>
      %dma_wait3A_28 = arith.constant 0 : i32
      %dma_wait3A_29 = tpu.memref_slice %arg2[%mul3A_15, %dma_wait3A_28] : memref<2560x128xi32, #tpu.memory_space<hbm>> -> memref<160x128xi32, #tpu.memory_space<hbm>>
      tpu.wait_dma2 semaphore(%run_scoped3A : memref<!tpu.dma_semaphore, #tpu.memory_space<semaphore_mem>>) src(%dma_wait3A_29 : memref<160x128xi32, #tpu.memory_space<hbm>>) dst(%arg7 : memref<160x128xi32, #tpu.memory_space<vmem>>)
      tpu.yield
    }) : () -> ()
    "tpu.region"() ({
      %run_scoped3A = tpu.sem_alloc : memref<!tpu.dma_semaphore, #tpu.memory_space<semaphore_mem>>
      %dma_start3A = arith.constant 0 : i32
      %dma_start3A_24 = tpu.memref_slice %arg3[%mul3A_15, %dma_start3A] : memref<2560x128xi32, #tpu.memory_space<hbm>> -> memref<160x128xi32, #tpu.memory_space<hbm>>
      %dma_start3A_25 = arith.constant 0 : i32
      %dma_start3A_26 = tpu.memref_slice %arg3[%mul3A_15, %dma_start3A_25] : memref<2560x128xi32, #tpu.memory_space<hbm>> -> memref<160x128xi32, #tpu.memory_space<hbm>>
      tpu.enqueue_dma source(%dma_start3A_26 : memref<160x128xi32, #tpu.memory_space<hbm>>) target(%arg8 : memref<160x128xi32, #tpu.memory_space<vmem>>) target_semaphore(%run_scoped3A : memref<!tpu.dma_semaphore, #tpu.memory_space<semaphore_mem>>)
      %dma_wait3A = arith.constant 0 : i32
      %dma_wait3A_27 = tpu.memref_slice %arg3[%mul3A_15, %dma_wait3A] : memref<2560x128xi32, #tpu.memory_space<hbm>> -> memref<160x128xi32, #tpu.memory_space<hbm>>
      %dma_wait3A_28 = arith.constant 0 : i32
      %dma_wait3A_29 = tpu.memref_slice %arg3[%mul3A_15, %dma_wait3A_28] : memref<2560x128xi32, #tpu.memory_space<hbm>> -> memref<160x128xi32, #tpu.memory_space<hbm>>
      tpu.wait_dma2 semaphore(%run_scoped3A : memref<!tpu.dma_semaphore, #tpu.memory_space<semaphore_mem>>) src(%dma_wait3A_29 : memref<160x128xi32, #tpu.memory_space<hbm>>) dst(%arg8 : memref<160x128xi32, #tpu.memory_space<vmem>>)
      tpu.yield
    }) : () -> ()
    %eq3A = arith.constant 0 : i32
    %eq3A_16 = arith.cmpi eq, %arg0, %eq3A : i32
    %convert_element_type3A = arith.extui %eq3A_16 : i1 to i32
    %cond3A = arith.constant 0 : i32
    %cond3A_17 = arith.cmpi ne, %convert_element_type3A, %cond3A : i32
    scf.if %cond3A_17 {
      %scan3A_24 = arith.constant 0 : i32
      %scan3A_25 = arith.constant 160 : i32
      %scan3A_26 = arith.addi %scan3A_24, %scan3A_25 : i32
      %scan3A_27 = arith.constant 1 : i32
      scf.for %scan3A_29 = %scan3A_24 to %scan3A_26 step %scan3A_27  : i32 {
        %dma_start3A = arith.constant 0 : i32
        %dma_start3A_30 = tpu.memref_slice %arg7[%scan3A_29, %dma_start3A] : memref<160x128xi32, #tpu.memory_space<vmem>> -> memref<1x128xi32, #tpu.memory_space<vmem>>
        %dma_start3A_31 = tpu.memref_squeeze %dma_start3A_30 : memref<1x128xi32, #tpu.memory_space<vmem>> -> memref<128xi32, #tpu.memory_space<vmem>>
        %dma_start3A_32 = arith.constant 0 : i32
        %dma_start3A_33 = arith.constant 0 : i32
        %dma_start3A_34 = tpu.memref_slice %arg4[%dma_start3A_32, %dma_start3A_33] : memref<10240x64xf32, #tpu.memory_space<hbm>> -> memref<10240x64xf32, #tpu.memory_space<hbm>>
        tpu.enqueue_indirect_dma source(%dma_start3A_34 : memref<10240x64xf32, #tpu.memory_space<hbm>>) target(%arg9 : memref<128x64xf32, #tpu.memory_space<vmem>>) offsets(%dma_start3A_31 : memref<128xi32, #tpu.memory_space<vmem>>) semaphore(%arg12 : memref<!tpu.dma_semaphore, #tpu.memory_space<semaphore_mem>>)
        %dma_wait3A = arith.constant 0 : i32
        %dma_wait3A_35 = tpu.memref_slice %arg7[%scan3A_29, %dma_wait3A] : memref<160x128xi32, #tpu.memory_space<vmem>> -> memref<1x128xi32, #tpu.memory_space<vmem>>
        %dma_wait3A_36 = tpu.memref_squeeze %dma_wait3A_35 : memref<1x128xi32, #tpu.memory_space<vmem>> -> memref<128xi32, #tpu.memory_space<vmem>>
        %dma_wait3A_37 = arith.constant 0 : i32
        %dma_wait3A_38 = arith.constant 0 : i32
        %dma_wait3A_39 = tpu.memref_slice %arg4[%dma_wait3A_37, %dma_wait3A_38] : memref<10240x64xf32, #tpu.memory_space<hbm>> -> memref<10240x64xf32, #tpu.memory_space<hbm>>
        tpu.wait_indirect_dma semaphore(%arg12 : memref<!tpu.dma_semaphore, #tpu.memory_space<semaphore_mem>>) src(%dma_wait3A_39 : memref<10240x64xf32, #tpu.memory_space<hbm>>) dst(%arg9 : memref<128x64xf32, #tpu.memory_space<vmem>>)
        "tpu.region"() ({
          %run_scoped3A = tpu.sem_alloc : memref<!tpu.dma_semaphore, #tpu.memory_space<semaphore_mem>>
          %dma_start3A_40 = arith.constant 0 : i32
          %dma_start3A_41 = tpu.memref_slice %arg8[%scan3A_29, %dma_start3A_40] : memref<160x128xi32, #tpu.memory_space<vmem>> -> memref<1x128xi32, #tpu.memory_space<vmem>>
          %dma_start3A_42 = tpu.memref_squeeze %dma_start3A_41 : memref<1x128xi32, #tpu.memory_space<vmem>> -> memref<128xi32, #tpu.memory_space<vmem>>
          %dma_start3A_43 = arith.constant 0 : i32
          %dma_start3A_44 = arith.constant 0 : i32
          %dma_start3A_45 = tpu.memref_slice %arg11[%dma_start3A_43, %dma_start3A_44] : memref<10240x64xf32, #tpu.memory_space<vmem_shared>> -> memref<10240x64xf32, #tpu.memory_space<vmem_shared>>
          tpu.enqueue_indirect_dma source(%arg9 : memref<128x64xf32, #tpu.memory_space<vmem>>) target(%dma_start3A_45 : memref<10240x64xf32, #tpu.memory_space<vmem_shared>>) offsets(%dma_start3A_42 : memref<128xi32, #tpu.memory_space<vmem>>) semaphore(%run_scoped3A : memref<!tpu.dma_semaphore, #tpu.memory_space<semaphore_mem>>) {add = true}
          %dma_wait3A_46 = arith.constant 0 : i32
          %dma_wait3A_47 = tpu.memref_slice %arg8[%scan3A_29, %dma_wait3A_46] : memref<160x128xi32, #tpu.memory_space<vmem>> -> memref<1x128xi32, #tpu.memory_space<vmem>>
          %dma_wait3A_48 = tpu.memref_squeeze %dma_wait3A_47 : memref<1x128xi32, #tpu.memory_space<vmem>> -> memref<128xi32, #tpu.memory_space<vmem>>
          %dma_wait3A_49 = arith.constant 0 : i32
          %dma_wait3A_50 = arith.constant 0 : i32
          %dma_wait3A_51 = tpu.memref_slice %arg11[%dma_wait3A_49, %dma_wait3A_50] : memref<10240x64xf32, #tpu.memory_space<vmem_shared>> -> memref<10240x64xf32, #tpu.memory_space<vmem_shared>>
          tpu.wait_indirect_dma semaphore(%run_scoped3A : memref<!tpu.dma_semaphore, #tpu.memory_space<semaphore_mem>>) src(%arg9 : memref<128x64xf32, #tpu.memory_space<vmem>>) dst(%dma_wait3A_51 : memref<10240x64xf32, #tpu.memory_space<vmem_shared>>)
          tpu.yield
        }) : () -> ()
      }
      %scan3A_28 = arith.constant 160 : i32
    } else {
    }
    %eq3A_18 = arith.constant 1 : i32
    %eq3A_19 = arith.cmpi eq, %arg0, %eq3A_18 : i32
    %convert_element_type3A_20 = arith.extui %eq3A_19 : i1 to i32
    %cond3A_21 = arith.constant 0 : i32
    %cond3A_22 = arith.cmpi ne, %convert_element_type3A_20, %cond3A_21 : i32
    scf.if %cond3A_22 {
      %scan3A_24 = arith.constant 0 : i32
      %scan3A_25 = arith.constant 160 : i32
      %scan3A_26 = arith.addi %scan3A_24, %scan3A_25 : i32
      %scan3A_27 = arith.constant 1 : i32
      scf.for %scan3A_29 = %scan3A_24 to %scan3A_26 step %scan3A_27  : i32 {
        %dma_start3A = arith.constant 0 : i32
        %dma_start3A_30 = tpu.memref_slice %arg7[%scan3A_29, %dma_start3A] : memref<160x128xi32, #tpu.memory_space<vmem>> -> memref<1x128xi32, #tpu.memory_space<vmem>>
        %dma_start3A_31 = tpu.memref_squeeze %dma_start3A_30 : memref<1x128xi32, #tpu.memory_space<vmem>> -> memref<128xi32, #tpu.memory_space<vmem>>
        %dma_start3A_32 = arith.constant 0 : i32
        %dma_start3A_33 = arith.constant 0 : i32
        %dma_start3A_34 = tpu.memref_slice %arg5[%dma_start3A_32, %dma_start3A_33] : memref<10240x64xf32, #tpu.memory_space<hbm>> -> memref<10240x64xf32, #tpu.memory_space<hbm>>
        tpu.enqueue_indirect_dma source(%dma_start3A_34 : memref<10240x64xf32, #tpu.memory_space<hbm>>) target(%arg9 : memref<128x64xf32, #tpu.memory_space<vmem>>) offsets(%dma_start3A_31 : memref<128xi32, #tpu.memory_space<vmem>>) semaphore(%arg12 : memref<!tpu.dma_semaphore, #tpu.memory_space<semaphore_mem>>)
        %dma_wait3A = arith.constant 0 : i32
        %dma_wait3A_35 = tpu.memref_slice %arg7[%scan3A_29, %dma_wait3A] : memref<160x128xi32, #tpu.memory_space<vmem>> -> memref<1x128xi32, #tpu.memory_space<vmem>>
        %dma_wait3A_36 = tpu.memref_squeeze %dma_wait3A_35 : memref<1x128xi32, #tpu.memory_space<vmem>> -> memref<128xi32, #tpu.memory_space<vmem>>
        %dma_wait3A_37 = arith.constant 0 : i32
        %dma_wait3A_38 = arith.constant 0 : i32
        %dma_wait3A_39 = tpu.memref_slice %arg5[%dma_wait3A_37, %dma_wait3A_38] : memref<10240x64xf32, #tpu.memory_space<hbm>> -> memref<10240x64xf32, #tpu.memory_space<hbm>>
        tpu.wait_indirect_dma semaphore(%arg12 : memref<!tpu.dma_semaphore, #tpu.memory_space<semaphore_mem>>) src(%dma_wait3A_39 : memref<10240x64xf32, #tpu.memory_space<hbm>>) dst(%arg9 : memref<128x64xf32, #tpu.memory_space<vmem>>)
        "tpu.region"() ({
          %run_scoped3A = tpu.sem_alloc : memref<!tpu.dma_semaphore, #tpu.memory_space<semaphore_mem>>
          %dma_start3A_40 = arith.constant 0 : i32
          %dma_start3A_41 = tpu.memref_slice %arg8[%scan3A_29, %dma_start3A_40] : memref<160x128xi32, #tpu.memory_space<vmem>> -> memref<1x128xi32, #tpu.memory_space<vmem>>
          %dma_start3A_42 = tpu.memref_squeeze %dma_start3A_41 : memref<1x128xi32, #tpu.memory_space<vmem>> -> memref<128xi32, #tpu.memory_space<vmem>>
          %dma_start3A_43 = arith.constant 0 : i32
          %dma_start3A_44 = arith.constant 0 : i32
          %dma_start3A_45 = tpu.memref_slice %arg11[%dma_start3A_43, %dma_start3A_44] : memref<10240x64xf32, #tpu.memory_space<vmem_shared>> -> memref<10240x64xf32, #tpu.memory_space<vmem_shared>>
          tpu.enqueue_indirect_dma source(%arg9 : memref<128x64xf32, #tpu.memory_space<vmem>>) target(%dma_start3A_45 : memref<10240x64xf32, #tpu.memory_space<vmem_shared>>) offsets(%dma_start3A_42 : memref<128xi32, #tpu.memory_space<vmem>>) semaphore(%run_scoped3A : memref<!tpu.dma_semaphore, #tpu.memory_space<semaphore_mem>>) {add = true}
          %dma_wait3A_46 = arith.constant 0 : i32
          %dma_wait3A_47 = tpu.memref_slice %arg8[%scan3A_29, %dma_wait3A_46] : memref<160x128xi32, #tpu.memory_space<vmem>> -> memref<1x128xi32, #tpu.memory_space<vmem>>
          %dma_wait3A_48 = tpu.memref_squeeze %dma_wait3A_47 : memref<1x128xi32, #tpu.memory_space<vmem>> -> memref<128xi32, #tpu.memory_space<vmem>>
          %dma_wait3A_49 = arith.constant 0 : i32
          %dma_wait3A_50 = arith.constant 0 : i32
          %dma_wait3A_51 = tpu.memref_slice %arg11[%dma_wait3A_49, %dma_wait3A_50] : memref<10240x64xf32, #tpu.memory_space<vmem_shared>> -> memref<10240x64xf32, #tpu.memory_space<vmem_shared>>
          tpu.wait_indirect_dma semaphore(%run_scoped3A : memref<!tpu.dma_semaphore, #tpu.memory_space<semaphore_mem>>) src(%arg9 : memref<128x64xf32, #tpu.memory_space<vmem>>) dst(%dma_wait3A_51 : memref<10240x64xf32, #tpu.memory_space<vmem_shared>>)
          tpu.yield
        }) : () -> ()
      }
      %scan3A_28 = arith.constant 160 : i32
    } else {
    }
    %barrier3A_23 = arith.constant 0 : index
    tpu.barrier barrier_id(%barrier3A_23)
    "tpu.region"() ({
      %run_scoped3A = tpu.sem_alloc : memref<!tpu.dma_semaphore, #tpu.memory_space<semaphore_mem>>
      %dma_start3A = arith.constant 0 : i32
      %dma_start3A_24 = tpu.memref_slice %arg6[%arg0, %mul3A_4, %dma_start3A] : memref<2x10240x64xf32, #tpu.memory_space<hbm>> -> memref<1x640x64xf32, #tpu.memory_space<hbm>>
      %dma_start3A_25 = tpu.memref_squeeze %dma_start3A_24 : memref<1x640x64xf32, #tpu.memory_space<hbm>> -> memref<640x64xf32, #tpu.memory_space<hbm>>
      %dma_start3A_26 = arith.constant 0 : i32
      %dma_start3A_27 = tpu.memref_slice %arg11[%mul3A_4, %dma_start3A_26] : memref<10240x64xf32, #tpu.memory_space<vmem_shared>> -> memref<640x64xf32, #tpu.memory_space<vmem_shared>>
      tpu.enqueue_dma source(%dma_start3A_27 : memref<640x64xf32, #tpu.memory_space<vmem_shared>>) target(%dma_start3A_25 : memref<640x64xf32, #tpu.memory_space<hbm>>) target_semaphore(%run_scoped3A : memref<!tpu.dma_semaphore, #tpu.memory_space<semaphore_mem>>)
      %dma_wait3A = arith.constant 0 : i32
      %dma_wait3A_28 = tpu.memref_slice %arg6[%arg0, %mul3A_4, %dma_wait3A] : memref<2x10240x64xf32, #tpu.memory_space<hbm>> -> memref<1x640x64xf32, #tpu.memory_space<hbm>>
      %dma_wait3A_29 = tpu.memref_squeeze %dma_wait3A_28 : memref<1x640x64xf32, #tpu.memory_space<hbm>> -> memref<640x64xf32, #tpu.memory_space<hbm>>
      %dma_wait3A_30 = arith.constant 0 : i32
      %dma_wait3A_31 = tpu.memref_slice %arg11[%mul3A_4, %dma_wait3A_30] : memref<10240x64xf32, #tpu.memory_space<vmem_shared>> -> memref<640x64xf32, #tpu.memory_space<vmem_shared>>
      tpu.wait_dma2 semaphore(%run_scoped3A : memref<!tpu.dma_semaphore, #tpu.memory_space<semaphore_mem>>) src(%dma_wait3A_31 : memref<640x64xf32, #tpu.memory_space<vmem_shared>>) dst(%dma_wait3A_29 : memref<640x64xf32, #tpu.memory_space<hbm>>)
      tpu.yield
    }) : () -> ()
    return
  }
}

module attributes {stable_mosaic.version = 14 : i64} {
  func.func @_scale_body(%arg0: i32, %arg1: memref<1024x128xf32, #tpu.memory_space<vmem>>, %arg2: memref<128x128xf32, #tpu.memory_space<vmem>>, %arg3: memref<1024x16xf32, #tpu.memory_space<vmem>>, %arg4: memref<1024x16xf32, #tpu.memory_space<vmem>>, %arg5: memref<1024x64xf32, #tpu.memory_space<vmem>>, %arg6: memref<1024x64xf32, #tpu.memory_space<vmem>>) attributes {dimension_semantics = [#tpu.dimension_semantics<arbitrary>], iteration_bounds = array<i64: 10>, scalar_prefetch = 0 : i64, scratch_operands = 0 : i64, tpu.core_type = #tpu.core_type<tc>, window_params = [{transform_indices = @transform_0, window_bounds = array<i64: 1024, 128>}, {pipeline_mode = #tpu.pipeline_mode<synchronous>, transform_indices = @transform_1, window_bounds = array<i64: 128, 128>}, {transform_indices = @transform_2, window_bounds = array<i64: 1024, 16>}, {transform_indices = @transform_3, window_bounds = array<i64: 1024, 16>}, {transform_indices = @transform_4, window_bounds = array<i64: 1024, 64>}, {transform_indices = @transform_5, window_bounds = array<i64: 1024, 64>}]} {
    %get3A = arith.constant 0 : index
    %get3A_0 = arith.constant 0 : index
    %get3A_1 = vector.load %arg3[%get3A, %get3A_0] : memref<1024x16xf32, #tpu.memory_space<vmem>>, vector<1024x1xf32>
    %add3A = arith.constant 1.000000e+00 : f32
    %add3A_2 = vector.broadcast %add3A : f32 to vector<1024x1xf32>
    %add3A_3 = arith.addf %add3A_2, %get3A_1 : vector<1024x1xf32>
    %get3A_4 = arith.constant 0 : index
    %get3A_5 = arith.constant 0 : index
    %get3A_6 = vector.load %arg4[%get3A_4, %get3A_5] : memref<1024x16xf32, #tpu.memory_space<vmem>>, vector<1024x1xf32>
    %add3A_7 = arith.addf %add3A_3, %get3A_6 : vector<1024x1xf32>
    %rsqrt3A = math.rsqrt %add3A_7 : vector<1024x1xf32>
    %get3A_8 = arith.constant 0 : index
    %get3A_9 = arith.constant 0 : index
    %get3A_10 = vector.load %arg1[%get3A_8, %get3A_9] : memref<1024x128xf32, #tpu.memory_space<vmem>>, vector<1024x128xf32>
    %get3A_11 = arith.constant 0 : index
    %get3A_12 = arith.constant 0 : index
    %get3A_13 = vector.load %arg2[%get3A_11, %get3A_12] : memref<128x128xf32, #tpu.memory_space<vmem>>, vector<128x128xf32>
    %dot_general3A = arith.constant dense<0.000000e+00> : vector<1024x128xf32>
    %dot_general3A_14 = tpu.matmul %get3A_10, %get3A_13, %dot_general3A {dimension_numbers = #tpu.dot_dimension_numbers<[1], [0], [0], [1], [0, 0, 1, 1], [], []>, transpose_lhs_hint = false} : vector<1024x128xf32>, vector<128x128xf32>, vector<1024x128xf32> -> vector<1024x128xf32>
    %mul3A = vector.broadcast %rsqrt3A : vector<1024x1xf32> to vector<1024x128xf32>
    %mul3A_15 = arith.mulf %dot_general3A_14, %mul3A : vector<1024x128xf32>
    %slice3A = vector.extract_strided_slice %mul3A_15 {offsets = [0, 0], sizes = [1024, 64], strides = [1, 1]} : vector<1024x128xf32> to vector<1024x64xf32>
    %swap3A = arith.constant 0 : index
    %swap3A_16 = arith.constant 0 : index
    %swap3A_17 = vector.load %arg5[%swap3A, %swap3A_16] : memref<1024x64xf32, #tpu.memory_space<vmem>>, vector<1024x64xf32>
    tpu.vector_store %arg5[%swap3A, %swap3A_16], %slice3A {strides = array<i32>} : memref<1024x64xf32, #tpu.memory_space<vmem>>, vector<1024x64xf32>,
    %slice3A_18 = vector.extract_strided_slice %mul3A_15 {offsets = [0, 64], sizes = [1024, 64], strides = [1, 1]} : vector<1024x128xf32> to vector<1024x64xf32>
    %swap3A_19 = arith.constant 0 : index
    %swap3A_20 = arith.constant 0 : index
    %swap3A_21 = vector.load %arg6[%swap3A_19, %swap3A_20] : memref<1024x64xf32, #tpu.memory_space<vmem>>, vector<1024x64xf32>
    tpu.vector_store %arg6[%swap3A_19, %swap3A_20], %slice3A_18 {strides = array<i32>} : memref<1024x64xf32, #tpu.memory_space<vmem>>, vector<1024x64xf32>,
    return
  }
  func.func @transform_0(%arg0: i32) -> (i32, i32) {
    %c0_i32 = arith.constant 0 : i32
    %c0_i32_0 = arith.constant 0 : i32
    return %arg0, %c0_i32 : i32, i32
  }
  func.func @transform_1(%arg0: i32) -> (i32, i32) {
    %c0_i32 = arith.constant 0 : i32
    %c0_i32_0 = arith.constant 0 : i32
    %c0_i32_1 = arith.constant 0 : i32
    return %c0_i32, %c0_i32_0 : i32, i32
  }
  func.func @transform_2(%arg0: i32) -> (i32, i32) {
    %c0_i32 = arith.constant 0 : i32
    %c0_i32_0 = arith.constant 0 : i32
    return %arg0, %c0_i32 : i32, i32
  }
  func.func @transform_3(%arg0: i32) -> (i32, i32) {
    %c0_i32 = arith.constant 0 : i32
    %c0_i32_0 = arith.constant 0 : i32
    return %arg0, %c0_i32 : i32, i32
  }
  func.func @transform_4(%arg0: i32) -> (i32, i32) {
    %c0_i32 = arith.constant 0 : i32
    %c0_i32_0 = arith.constant 0 : i32
    return %arg0, %c0_i32 : i32, i32
  }
  func.func @transform_5(%arg0: i32) -> (i32, i32) {
    %c0_i32 = arith.constant 0 : i32
    %c0_i32_0 = arith.constant 0 : i32
    return %arg0, %c0_i32 : i32, i32
  }
}

module attributes {stable_mosaic.version = 14 : i64} {
  func.func @_head_body(%arg0: i32, %arg1: memref<1024x64xf32, #tpu.memory_space<vmem>>, %arg2: memref<1024x64xf32, #tpu.memory_space<vmem>>, %arg3: memref<1024x64xf32, #tpu.memory_space<vmem>>, %arg4: memref<1024x64xf32, #tpu.memory_space<vmem>>, %arg5: memref<1024x128xf32, #tpu.memory_space<vmem>>, %arg6: memref<1024x16xf32, #tpu.memory_space<vmem>>, %arg7: memref<1024x16xf32, #tpu.memory_space<vmem>>, %arg8: memref<1x128xf32, #tpu.memory_space<vmem>>, %arg9: memref<128x32xf32, #tpu.memory_space<vmem>>, %arg10: memref<1x32xf32, #tpu.memory_space<vmem>>, %arg11: memref<32x32xf32, #tpu.memory_space<vmem>>, %arg12: memref<1x32xf32, #tpu.memory_space<vmem>>, %arg13: memref<32x1xf32, #tpu.memory_space<vmem>>, %arg14: memref<1x1xf32, #tpu.memory_space<vmem>>, %arg15: memref<1024x1xf32, #tpu.memory_space<vmem>>) attributes {dimension_semantics = [#tpu.dimension_semantics<arbitrary>], iteration_bounds = array<i64: 10>, scalar_prefetch = 0 : i64, scratch_operands = 0 : i64, tpu.core_type = #tpu.core_type<tc>, window_params = [{transform_indices = @transform_0, window_bounds = array<i64: 1024, 64>}, {transform_indices = @transform_1, window_bounds = array<i64: 1024, 64>}, {transform_indices = @transform_2, window_bounds = array<i64: 1024, 64>}, {transform_indices = @transform_3, window_bounds = array<i64: 1024, 64>}, {transform_indices = @transform_4, window_bounds = array<i64: 1024, 128>}, {transform_indices = @transform_5, window_bounds = array<i64: 1024, 16>}, {transform_indices = @transform_6, window_bounds = array<i64: 1024, 16>}, {pipeline_mode = #tpu.pipeline_mode<synchronous>, transform_indices = @transform_7, window_bounds = array<i64: 1, 128>}, {pipeline_mode = #tpu.pipeline_mode<synchronous>, transform_indices = @transform_8, window_bounds = array<i64: 128, 32>}, {pipeline_mode = #tpu.pipeline_mode<synchronous>, transform_indices = @transform_9, window_bounds = array<i64: 1, 32>}, {pipeline_mode = #tpu.pipeline_mode<synchronous>, transform_indices = @transform_10, window_bounds = array<i64: 32, 32>}, {pipeline_mode = #tpu.pipeline_mode<synchronous>, transform_indices = @transform_11, window_bounds = array<i64: 1, 32>}, {pipeline_mode = #tpu.pipeline_mode<synchronous>, transform_indices = @transform_12, window_bounds = array<i64: 32, 1>}, {pipeline_mode = #tpu.pipeline_mode<synchronous>, transform_indices = @transform_13, window_bounds = array<i64: 1, 1>}, {transform_indices = @transform_14, window_bounds = array<i64: 1024, 1>}]} {
    %get3A = arith.constant 0 : index
    %get3A_0 = arith.constant 0 : index
    %get3A_1 = vector.load %arg6[%get3A, %get3A_0] : memref<1024x16xf32, #tpu.memory_space<vmem>>, vector<1024x1xf32>
    %add3A = arith.constant 1.000000e+00 : f32
    %add3A_2 = vector.broadcast %add3A : f32 to vector<1024x1xf32>
    %add3A_3 = arith.addf %add3A_2, %get3A_1 : vector<1024x1xf32>
    %get3A_4 = arith.constant 0 : index
    %get3A_5 = arith.constant 0 : index
    %get3A_6 = vector.load %arg7[%get3A_4, %get3A_5] : memref<1024x16xf32, #tpu.memory_space<vmem>>, vector<1024x1xf32>
    %add3A_7 = arith.addf %add3A_3, %get3A_6 : vector<1024x1xf32>
    %rsqrt3A = math.rsqrt %add3A_7 : vector<1024x1xf32>
    %get3A_8 = arith.constant 0 : index
    %get3A_9 = arith.constant 0 : index
    %get3A_10 = vector.load %arg1[%get3A_8, %get3A_9] : memref<1024x64xf32, #tpu.memory_space<vmem>>, vector<1024x64xf32>
    %get3A_11 = arith.constant 0 : index
    %get3A_12 = arith.constant 0 : index
    %get3A_13 = vector.load %arg2[%get3A_11, %get3A_12] : memref<1024x64xf32, #tpu.memory_space<vmem>>, vector<1024x64xf32>
    %concatenate3A = tpu.concatenate %get3A_10, %get3A_13 in 1 : vector<1024x64xf32>, vector<1024x64xf32> -> vector<1024x128xf32>
    %get3A_14 = arith.constant 0 : index
    %get3A_15 = arith.constant 0 : index
    %get3A_16 = vector.load %arg3[%get3A_14, %get3A_15] : memref<1024x64xf32, #tpu.memory_space<vmem>>, vector<1024x64xf32>
    %get3A_17 = arith.constant 0 : index
    %get3A_18 = arith.constant 0 : index
    %get3A_19 = vector.load %arg4[%get3A_17, %get3A_18] : memref<1024x64xf32, #tpu.memory_space<vmem>>, vector<1024x64xf32>
    %concatenate3A_20 = tpu.concatenate %get3A_16, %get3A_19 in 1 : vector<1024x64xf32>, vector<1024x64xf32> -> vector<1024x128xf32>
    %add3A_21 = arith.addf %concatenate3A, %concatenate3A_20 : vector<1024x128xf32>
    %mul3A = vector.broadcast %rsqrt3A : vector<1024x1xf32> to vector<1024x128xf32>
    %mul3A_22 = arith.mulf %mul3A, %add3A_21 : vector<1024x128xf32>
    %get3A_23 = arith.constant 0 : index
    %get3A_24 = arith.constant 0 : index
    %get3A_25 = vector.load %arg8[%get3A_23, %get3A_24] : memref<1x128xf32, #tpu.memory_space<vmem>>, vector<1x128xf32>
    %add3A_26 = vector.broadcast %get3A_25 : vector<1x128xf32> to vector<1024x128xf32>
    %add3A_27 = arith.addf %mul3A_22, %add3A_26 : vector<1024x128xf32>
    %max3A = arith.constant 0.000000e+00 : f32
    %max3A_28 = vector.broadcast %max3A : f32 to vector<1024x128xf32>
    %max3A_29 = arith.maximumf %add3A_27, %max3A_28 : vector<1024x128xf32>
    %get3A_30 = arith.constant 0 : index
    %get3A_31 = arith.constant 0 : index
    %get3A_32 = vector.load %arg5[%get3A_30, %get3A_31] : memref<1024x128xf32, #tpu.memory_space<vmem>>, vector<1024x128xf32>
    %add3A_33 = arith.addf %max3A_29, %get3A_32 : vector<1024x128xf32>
    %get3A_34 = arith.constant 0 : index
    %get3A_35 = arith.constant 0 : index
    %get3A_36 = vector.load %arg9[%get3A_34, %get3A_35] : memref<128x32xf32, #tpu.memory_space<vmem>>, vector<128x32xf32>
    %dot_general3A = arith.constant dense<0.000000e+00> : vector<1024x32xf32>
    %dot_general3A_37 = tpu.matmul %add3A_33, %get3A_36, %dot_general3A {dimension_numbers = #tpu.dot_dimension_numbers<[1], [0], [0], [1], [0, 0, 1, 1], [], []>, transpose_lhs_hint = false} : vector<1024x128xf32>, vector<128x32xf32>, vector<1024x32xf32> -> vector<1024x32xf32>
    %get3A_38 = arith.constant 0 : index
    %get3A_39 = arith.constant 0 : index
    %get3A_40 = vector.load %arg10[%get3A_38, %get3A_39] : memref<1x32xf32, #tpu.memory_space<vmem>>, vector<1x32xf32>
    %add3A_41 = vector.broadcast %get3A_40 : vector<1x32xf32> to vector<1024x32xf32>
    %add3A_42 = arith.addf %dot_general3A_37, %add3A_41 : vector<1024x32xf32>
    %max3A_43 = arith.constant 0.000000e+00 : f32
    %max3A_44 = vector.broadcast %max3A_43 : f32 to vector<1024x32xf32>
    %max3A_45 = arith.maximumf %add3A_42, %max3A_44 : vector<1024x32xf32>
    %get3A_46 = arith.constant 0 : index
    %get3A_47 = arith.constant 0 : index
    %get3A_48 = vector.load %arg11[%get3A_46, %get3A_47] : memref<32x32xf32, #tpu.memory_space<vmem>>, vector<32x32xf32>
    %dot_general3A_49 = arith.constant dense<0.000000e+00> : vector<1024x32xf32>
    %dot_general3A_50 = tpu.matmul %max3A_45, %get3A_48, %dot_general3A_49 {dimension_numbers = #tpu.dot_dimension_numbers<[1], [0], [0], [1], [0, 0, 1, 1], [], []>, transpose_lhs_hint = false} : vector<1024x32xf32>, vector<32x32xf32>, vector<1024x32xf32> -> vector<1024x32xf32>
    %get3A_51 = arith.constant 0 : index
    %get3A_52 = arith.constant 0 : index
    %get3A_53 = vector.load %arg12[%get3A_51, %get3A_52] : memref<1x32xf32, #tpu.memory_space<vmem>>, vector<1x32xf32>
    %add3A_54 = vector.broadcast %get3A_53 : vector<1x32xf32> to vector<1024x32xf32>
    %add3A_55 = arith.addf %dot_general3A_50, %add3A_54 : vector<1024x32xf32>
    %max3A_56 = arith.constant 0.000000e+00 : f32
    %max3A_57 = vector.broadcast %max3A_56 : f32 to vector<1024x32xf32>
    %max3A_58 = arith.maximumf %add3A_55, %max3A_57 : vector<1024x32xf32>
    %get3A_59 = arith.constant 0 : index
    %get3A_60 = arith.constant 0 : index
    %get3A_61 = vector.load %arg13[%get3A_59, %get3A_60] : memref<32x1xf32, #tpu.memory_space<vmem>>, vector<32x1xf32>
    %dot_general3A_62 = arith.constant dense<0.000000e+00> : vector<1024x1xf32>
    %dot_general3A_63 = tpu.matmul %max3A_58, %get3A_61, %dot_general3A_62 {dimension_numbers = #tpu.dot_dimension_numbers<[1], [0], [0], [1], [0, 0, 1, 1], [], []>, transpose_lhs_hint = false} : vector<1024x32xf32>, vector<32x1xf32>, vector<1024x1xf32> -> vector<1024x1xf32>
    %get3A_64 = arith.constant 0 : index
    %get3A_65 = arith.constant 0 : index
    %get3A_66 = vector.load %arg14[%get3A_64, %get3A_65] : memref<1x1xf32, #tpu.memory_space<vmem>>, vector<1x1xf32>
    %add3A_67 = vector.broadcast %get3A_66 : vector<1x1xf32> to vector<1024x1xf32>
    %add3A_68 = arith.addf %dot_general3A_63, %add3A_67 : vector<1024x1xf32>
    %swap3A = arith.constant 0 : index
    %swap3A_69 = arith.constant 0 : index
    %swap3A_70 = vector.load %arg15[%swap3A, %swap3A_69] : memref<1024x1xf32, #tpu.memory_space<vmem>>, vector<1024x1xf32>
    tpu.vector_store %arg15[%swap3A, %swap3A_69], %add3A_68 {strides = array<i32>} : memref<1024x1xf32, #tpu.memory_space<vmem>>, vector<1024x1xf32>,
    return
  }
  func.func @transform_0(%arg0: i32) -> (i32, i32) {
    %c0_i32 = arith.constant 0 : i32
    %c0_i32_0 = arith.constant 0 : i32
    return %arg0, %c0_i32 : i32, i32
  }
  func.func @transform_1(%arg0: i32) -> (i32, i32) {
    %c0_i32 = arith.constant 0 : i32
    %c0_i32_0 = arith.constant 0 : i32
    return %arg0, %c0_i32 : i32, i32
  }
  func.func @transform_2(%arg0: i32) -> (i32, i32) {
    %c0_i32 = arith.constant 0 : i32
    %c0_i32_0 = arith.constant 0 : i32
    return %arg0, %c0_i32 : i32, i32
  }
  func.func @transform_3(%arg0: i32) -> (i32, i32) {
    %c0_i32 = arith.constant 0 : i32
    %c0_i32_0 = arith.constant 0 : i32
    return %arg0, %c0_i32 : i32, i32
  }
  func.func @transform_4(%arg0: i32) -> (i32, i32) {
    %c0_i32 = arith.constant 0 : i32
    %c0_i32_0 = arith.constant 0 : i32
    return %arg0, %c0_i32 : i32, i32
  }
  func.func @transform_5(%arg0: i32) -> (i32, i32) {
    %c0_i32 = arith.constant 0 : i32
    %c0_i32_0 = arith.constant 0 : i32
    return %arg0, %c0_i32 : i32, i32
  }
  func.func @transform_6(%arg0: i32) -> (i32, i32) {
    %c0_i32 = arith.constant 0 : i32
    %c0_i32_0 = arith.constant 0 : i32
    return %arg0, %c0_i32 : i32, i32
  }
  func.func @transform_7(%arg0: i32) -> (i32, i32) {
    %c0_i32 = arith.constant 0 : i32
    %c0_i32_0 = arith.constant 0 : i32
    %c0_i32_1 = arith.constant 0 : i32
    return %c0_i32, %c0_i32_0 : i32, i32
  }
  func.func @transform_8(%arg0: i32) -> (i32, i32) {
    %c0_i32 = arith.constant 0 : i32
    %c0_i32_0 = arith.constant 0 : i32
    %c0_i32_1 = arith.constant 0 : i32
    return %c0_i32, %c0_i32_0 : i32, i32
  }
  func.func @transform_9(%arg0: i32) -> (i32, i32) {
    %c0_i32 = arith.constant 0 : i32
    %c0_i32_0 = arith.constant 0 : i32
    %c0_i32_1 = arith.constant 0 : i32
    return %c0_i32, %c0_i32_0 : i32, i32
  }
  func.func @transform_10(%arg0: i32) -> (i32, i32) {
    %c0_i32 = arith.constant 0 : i32
    %c0_i32_0 = arith.constant 0 : i32
    %c0_i32_1 = arith.constant 0 : i32
    return %c0_i32, %c0_i32_0 : i32, i32
  }
  func.func @transform_11(%arg0: i32) -> (i32, i32) {
    %c0_i32 = arith.constant 0 : i32
    %c0_i32_0 = arith.constant 0 : i32
    %c0_i32_1 = arith.constant 0 : i32
    return %c0_i32, %c0_i32_0 : i32, i32
  }
  func.func @transform_12(%arg0: i32) -> (i32, i32) {
    %c0_i32 = arith.constant 0 : i32
    %c0_i32_0 = arith.constant 0 : i32
    %c0_i32_1 = arith.constant 0 : i32
    return %c0_i32, %c0_i32_0 : i32, i32
  }
  func.func @transform_13(%arg0: i32) -> (i32, i32) {
    %c0_i32 = arith.constant 0 : i32
    %c0_i32_0 = arith.constant 0 : i32
    %c0_i32_1 = arith.constant 0 : i32
    return %c0_i32, %c0_i32_0 : i32, i32
  }
  func.func @transform_14(%arg0: i32) -> (i32, i32) {
    %c0_i32 = arith.constant 0 : i32
    %c0_i32_0 = arith.constant 0 : i32
    return %arg0, %c0_i32 : i32, i32
  }
}

</mosaic_0001>

<sc_bundles>
// kernel: kernel.6.cloned.1.call-start
scs
__scs_entry_jumppad:
0x0: {  	(pc) =	sbr.rel $0x88, $3  }
0x1: {  	(tag) =	ssettag $0x0;
	lr =	simm.s32 $0x1  }
0x2: {  	[smem:$0x3F97] =	sst lr;
	_ =	strace $0xD0000000  }
0x3: {  	_ = 	snop  }
0x4: {  	_ = 	snop  }
0x5: {  	_ = 	snop  }
0x6: {  	_ = 	snop  }
0x7: {  	_ = 	snop  }
__scs_overlays_trampoline_lowered:
0x8: {  	[smem:$0x3FA6] =	sst s0  }
0x9: {  	[smem:$0x3FA7] =	sst s1  }
0xa: {  	[smem:$0x3FA8] =	sst s2  }
0xb: {  	[smem:$0x3FA9] =	sst s3  }
0xc: {  	[smem:$0x3FAA] =	sst s4  }
0xd: {  	[smem:$0x3FAB] =	sst s5  }
0xe: {  	[smem:$0x3FAC] =	sst s6  }
0xf: {  	[smem:$0x3FAD] =	sst s7  }
0x10: {  	[smem:$0x3FAE] =	sst s8  }
0x11: {  	[smem:$0x3FAF] =	sst s9;
	s0 =	simm.s32 @!p0 $0x0  }
0x12: {  	s1 =	sld [smem:$0x3F95];
	s0 =	simm.s32 @p0 $0x1  }
0x13: {  	[smem:$0x3FB0] =	sst s0;
	s0 =	simm.s32 @!p1 $0x0  }
0x14: {  	s2 =	sld [smem:$0x3F94];
	s0 =	simm.s32 @p1 $0x1  }
0x15: {  	[smem:$0x3FB1] =	sst s0;
	s0 =	simm.s32 @!p2 $0x0  }
0x16: {  	s3 =	sld [smem:$0x3FDB];
	s0 =	simm.s32 @p2 $0x1  }
0x17: {  	s4 =	simm.s32 $0x1BF5;
	[smem:$0x3FB3] =	sst s0  }
0x18: {  	s0 =	sld [smem:$0x3F96];
	_ =	swait.ge [sflag:s4], $0x0  }
0x19: {  	s7 =	sld [smem:$0x3F97]  }
0x1a: {  	s8 =	sadd.s32 $0xFFFFE003, lr  }
0x1b: {  	s9 =	sadd.s32 $0xFFFFFEF7, lr;
	s5 =	simm.s32 $0xFFFFFFFF;
	p2 =	slt.u32 s8, $0xFFFFF086  }
0x1c: {  	p1 =	slt.u32 s9, $0xF7A;
	s5 =	simm.s32 @!p2 $0x0  }
0x1d: {  	s5 =	simm.s32 @p1 $0x1;
	p0 =	seq.s32 s7, s2  }
0x1e: {  	s7 =	smul.u32 @!p0 $0xF7A, s2;
	p2 =	seq.s32 @!p0 s5, $0x0  }
0x1f: {  	s9 =	smul.u32 $0xF7A, s1;
	s8 =	simm.s32 @!p0 $0x1BF5;
	p2 =	por !p2, p0  }
0x20: {  	[sflag:s8] =	ssyncset.s32 @!p0 $0xFFFFF086;
	s6 =	sadd.s32 @!p0 s3, s7;
	s7 =	simm.s32 @!p0 $0x108  }
0x21: {  	s3 =	sadd.s32 s3, s9;
	s6 =	sadd.s32 @!p0 $0x88, s6;
	s7 =	simm.s32 @p2 $0x1082  }
0x22: {  	[simem:s7], [sflag:s8] =	dma.local @!p0 [hbm:s6], $0xF7A  }
0x23: {  	s9 =	sor.u32 $0xD0000000, s2;
	s6 =	simm.s32 $0x108;
	_ =	swait.ge @!p0 [sflag:s8], $0x0  }
0x24: {  	s3 =	sadd.s32 $0x88, s3;
	s6 =	simm.s32 @!p1 $0x1082;
	[sflag:s4] =	ssyncset.s32 $0xFFFFF086  }
0x25: {  	[simem:s6], [sflag:s4] =	dma.local [hbm:s3], $0xF7A  }
0x26: {  	[smem:$0x3F97] =	sst s1;
	(tag) =	ssettag s2;
	_ =	strace s9  }
0x27: {  	s1 =	sld [smem:$0x3FA7]  }
0x28: {  	s2 =	sld [smem:$0x3FA8]  }
0x29: {  	s4 =	sld [smem:$0x3FAA]  }
0x2a: {  	p0 =	seq.s32 s5, $0x0;
	s5 =	sld [smem:$0x3FAB]  }
0x2b: {  	s6 =	sld [smem:$0x3FAC]  }
0x2c: {  	s7 =	sld [smem:$0x3FAD]  }
0x2d: {  	s3 =	simm.s32 $0x108;
	s8 =	sld [smem:$0x3FAE]  }
0x2e: {  	s3 =	simm.s32 @!p0 $0x1082;
	s9 =	sld [smem:$0x3FAF]  }
0x2f: {  	lr =	sadd.s32 s0, s3;
	s0 =	sld [smem:$0x3FA6]  }
0x30: {  	s3 =	sld [smem:$0x3FA9]  }
0x31: {  	[smem:$0x3FB2] =	sst s10  }
0x32: {  	s10 =	sld [smem:$0x3FB0];
	_ =	sdelay $0x3  }
0x33: {  	p0 =	seq.s32 s10, $0x1;
	s10 =	sld [smem:$0x3FB2];
	_ =	sdelay $0x3  }
0x34: {  	[smem:$0x3FB2] =	sst s10  }
0x35: {  	s10 =	sld [smem:$0x3FB1];
	_ =	sdelay $0x3  }
0x36: {  	p1 =	seq.s32 s10, $0x1;
	s10 =	sld [smem:$0x3FB2];
	_ =	sdelay $0x3  }
0x37: {  	[smem:$0x3FB2] =	sst s10  }
0x38: {  	s10 =	sld [smem:$0x3FB3]  }
0x39: {  	_ = 	snop;
	(pc) =	sbr.ind lr, $3  }
0x3a: {  	_ = 	snop  }
0x3b: {  	_ = 	snop  }
0x3c: {  	p2 =	seq.s32 s10, $0x1;
	s10 =	sld [smem:$0x3FB2]  }
0x3d: {  	_ =	shalt  }
0x3e: {  	_ =	shalt  }
0x3f: {  	_ =	shalt  }
0x40: {  	_ =	shalt  }
0x41: {  	_ =	shalt  }
0x42: {  	_ =	shalt  }
0x43: {  	_ =	shalt  }
0x44: {  	_ =	shalt  }
0x45: {  	_ =	shalt  }
0x46: {  	_ =	shalt  }
0x47: {  	_ =	shalt  }
0x48: {  	_ =	shalt  }
0x49: {  	_ =	shalt  }
0x4a: {  	_ =	shalt  }
0x4b: {  	_ =	shalt  }
0x4c: {  	_ =	shalt  }
0x4d: {  	_ =	shalt  }
0x4e: {  	_ =	shalt  }
0x4f: {  	_ =	shalt  }
0x50: {  	_ =	shalt  }
0x51: {  	_ =	shalt  }
0x52: {  	_ =	shalt  }
0x53: {  	_ =	shalt  }
0x54: {  	_ =	shalt  }
0x55: {  	_ =	shalt  }
0x56: {  	_ =	shalt  }
0x57: {  	_ =	shalt  }
0x58: {  	_ =	shalt  }
0x59: {  	_ =	shalt  }
0x5a: {  	_ =	shalt  }
0x5b: {  	_ =	shalt  }
0x5c: {  	_ =	shalt  }
0x5d: {  	_ =	shalt  }
0x5e: {  	_ =	shalt  }
0x5f: {  	_ =	shalt  }
0x60: {  	_ =	shalt  }
0x61: {  	_ =	shalt  }
0x62: {  	_ =	shalt  }
0x63: {  	_ =	shalt  }
0x64: {  	_ =	shalt  }
0x65: {  	_ =	shalt  }
0x66: {  	_ =	shalt  }
0x67: {  	_ =	shalt  }
0x68: {  	_ =	shalt  }
0x69: {  	_ =	shalt  }
0x6a: {  	_ =	shalt  }
0x6b: {  	_ =	shalt  }
0x6c: {  	_ =	shalt  }
0x6d: {  	_ =	shalt  }
0x6e: {  	_ =	shalt  }
0x6f: {  	_ =	shalt  }
0x70: {  	_ =	shalt  }
0x71: {  	_ =	shalt  }
0x72: {  	_ =	shalt  }
0x73: {  	_ =	shalt  }
0x74: {  	_ =	shalt  }
0x75: {  	_ =	shalt  }
0x76: {  	_ =	shalt  }
0x77: {  	_ =	shalt  }
0x78: {  	_ =	shalt  }
0x79: {  	_ =	shalt  }
0x7a: {  	_ =	shalt  }
0x7b: {  	_ =	shalt  }
0x7c: {  	_ =	shalt  }
0x7d: {  	_ =	shalt  }
0x7e: {  	_ =	shalt  }
0x7f: {  	_ =	shalt  }
0x80: {  	_ =	shalt  }
0x81: {  	_ =	shalt  }
0x82: {  	_ =	shalt  }
0x83: {  	_ =	shalt  }
0x84: {  	_ =	shalt  }
0x85: {  	_ =	shalt  }
0x86: {  	_ =	shalt  }
0x87: {  	_ =	shalt  }
.Lfunc_end0:
.L_simem_size_0:
called_computation_lowered:
.L_overlay_start_0:
0x88: {  	s2 =	sld [smem:$0x3FD9]  }
0x89: {  	s3 =	sld [smem:$0x3FFE];
	_ =	sdelay $0x1  }
0x8a: {  	s1 =	srdreg.scid  }
0x8b: {  	s0 =	sand.u32 $0x1, s1  }
0x8c: {  	s16 =	sshll.u32 s0, $0xA;
	s2 =	sadd.s32 s3, s2  }
0x8d: {  	s2 =	sadd.s32 s2, s16  }
0x8e: {  	[smem:$0x3FBE] =	sst s2  }
0x8f: {  	_ = 	snop  }
0x90: {  	(tm) =	ssettm $0x1  }
0x91: {  	s17 =	sld [smem:$0x3FFB];
	_ =	sdelay $0x3  }
0x92: {  	_ =	strace s17  }
0x93: {  	s2 =	sld [smem:$0x3FFC];
	_ =	sdelay $0x3  }
0x94: {  	_ =	strace s2  }
0x95: {  	s2 =	sld [smem:$0x3FFD];
	_ =	sdelay $0x3  }
0x96: {  	_ =	strace s2  }
0x97: {  	_ =	strace $0x8FFFFFFF  }
0x98: {  	s18 =	sld [smem:$0x3FDB];
	_ =	sdelay $0x1  }
0x99: {  	s19 =	simm.s32 $_scs_section_size  }
0x9a: {  	s4 =	simm.s32 $_size__tile_overlayer_lowered;
	s5 =	simm.s32 $_tile_overlayer_lowered  }
0x9b: {  	s22 =	simm.s32 $0x1BFF;
	s21 =	sshll.u32 s5, $0x1;
	s2 =	sadd.s32 s19, s18  }
0x9c: {  	s6 =	simm.s32 $0x0;
	s20 =	sshll.u32 s4, $0x1;
	s4 =	sadd.s32 s21, s2  }
0x9d: {  	[timem:s6], [sflag:s22] =	dma.local [hbm:s4], s20  }
0x9e: {  	_ =	swait.ge [sflag:s22], s20  }
0x9f: {  	s3 =	ssub.s32 $0x0, s20;
	[sflag:s22] =	ssyncset.done $0x0  }
0xa0: {  	[sflag:s22] =	ssyncadd.s32 s3;
	_ =	sdelay $0x1  }
0xa1: {  	s23 =	simm.s32 $0x1B8B  }
0xa2: {  	_ =	swait.ge [sflag:s23], $0x1  }
0xa3: {  	[sflag:s23] =	ssyncset.done $0x0  }
0xa4: {  	s25 =	simm.s32 $0x1B8E;
	s24 =	sld [smem:$0x3FFE];
	[sflag:s23] =	ssyncadd.s32 $0xFFFFFFFF  }
0xa5: {  	s26 =	simm.s32 $execute0_lowered;
	[smem:$0x3FD2] =	sst s25  }
0xa6: {  	s4 =	sshll.u32 s26, $0x1;
	_ =	strace $0x80000046;
	[dreg:$0x1] =	wrdreg $0xFFFFFFFF  }
0xa7: {  	s28 =	simm.s32 $_size_execute0_lowered;
	s2 =	sadd.s32 s2, s4;
	[dreg:$0x0] =	wrdreg $0x0  }
0xa8: {  	s4 =	sshll.u32 s28, $0x1;
	[dreg:$0x2] =	wrdreg s2  }
0xa9: {  	[dreg:$0x3] =	wrdreg s4  }
0xaa: {  	[dreg:$0x4] =	wrdreg $0xC0  }
0xab: {  	_ =	task [dreg:s6], $0x5FFFF  }
0xac: {  	[dreg:$0x1] =	wrdreg $0xFFFFFFFF  }
0xad: {  	[dreg:$0x0] =	wrdreg $0x60  }
0xae: {  	[dreg:$0x2] =	wrdreg s24  }
0xaf: {  	[dreg:$0x3] =	wrdreg $0xA8000  }
0xb0: {  	[dreg:$0x4] =	wrdreg $0x9  }
0xb1: {  	_ =	task.clear_ibuf [dreg:s6], $0x5FFFF;
	_ =	strace $0x90000046  }
0xb2: {  	s29 =	simm.s32 $0x9;
	_ =	strace $0x80000048  }
0xb3: {  	_ =	swait.ge [sflag:s29], $0x1  }
0xb4: {  	[sflag:s29] =	ssyncadd.s32 $0xFFFFFFFF  }
0xb5: {  	_ =	strace $0x90000048  }
0xb6: {  	_ =	sfence  }
0xb7: {  	s30 =	sld [smem:$0x0];
	_ =	sdelay $0x2  }
0xb8: {  	s31 =	sshll.u32 s1, $0xD;
	s1 =	sshrl.u32 s1, $0x2  }
0xb9: {  	s3 =	sand.u32 $0x4000, s31;
	s1 =	sadd.s32 s1, s30  }
0xba: {  	s0 =	sor.u32 s3, s0;
	s1 =	sshll.u32 s1, $0x11  }
0xbb: {  	s0 =	sor.u32 s1, s0  }
0xbc: {  	s0 =	sadd.s32 $0x8F2B, s0  }
0xbd: {  	[sflag:s0] =	ssyncadd.remote.s32 $0x1  }
0xbe: {  	_ =	sfence.sel $0xFFFF  }
0xbf: {  	[dreg:$0x0] =	wrdreg $0xFFFFFFFF;
	(pc) =	sbr.abs _section_cstart, $3  }
0xc0: {  	[dreg:$0x1] =	wrdreg $0xFFFFFFFF  }
0xc1: {  	_ =	task.clear_ibuf [dreg:s6], $0x2FFFF;
	_ =	strace $0x9FFFFFFF  }
0xc2: {  	(tm) =	ssettm $0x7FFFFFFF  }
0xc3: {  	_ =	shalt  }
tec
execute0_lowered:
.L_overlay_start_1:
0x0: {  	(tag) =	ssettag $0x1  }
0x1: {  	s0 =	srdreg.scid;
	s6 =	rddreg [dreg:$0x0]  }
0x2: {  	s2 =	rddreg [dreg:$0x1];
	s4 =	sand.u32 $0x1, s0  }
0x3: {  	s0 =	stileid.u32;
	s5 =	smul.u32 $0x5000, s4  }
0x4: {  	s1 =	rddreg [dreg:$0x2];
	s7 =	smul.u32 $0x500, s0  }
0x5: {  	s3 =	simm.s32 $0x0;
	s13 =	simm.s32 $0x1;
	s8 =	smul.u32 $0x140000, s4  }
0x6: {  	s14 =	simm.s32 $0x80;
	s15 =	simm.s32 $0x2800;
	s9 =	smul.u32 $0x14000, s0  }
0x7: {  	[smem:$0x7FF] =	sst s3;
	s26 =	smul.u32 $0x50000, s0;
	s29 =	ssub.s32 $0x2, s4  }
0x8: {  	_ =	strace $0x80000047;
	s16 =	sshll.u32 s0, $0x6;
	s31 =	sshrl.u32 s29, $0x1  }
0x9: {  	s16 =	sor.u32 $0x1C01, s16;
	s5 =	sadd.s32 s7, s5;
	s28 =	sadd.s32 s9, s8  }
0xa: {  	s30 =	sshrl.u32 s26, $0x2;
	s10 =	sadd.s32 s5, s6;
	s5 =	sshrl.u32 s28, $0x3  }
0xb: {  	s12 =	ssub.s32 s29, s31;
	s4 =	sadd.s32 s30, s2;
	s11 =	sadd.s32 s5, s6  }
0xc: {  	s5 =	sadd.s32 $0x4000, s4;
	s6 =	sadd.s32 $0x8000, s4;
	s7 =	sadd.s32 $0xC000, s4  }
0xd: {  	s8 =	sadd.s32 $0x10000, s4;
	s9 =	sadd.s32 $0x2400, s10;
	s17 =	sshrl.u32 s4, $0x3  }
0xe: {  	v0 =	vimm.f32 $1.000000000e+00;
	v1 =	vimm.f32 $0.0e+00;
	s10 =	sadd.s32 $0x16400, s11;
	s11 =	smax.u32 s12, $0x1;
	s12 =	simm.s32 $0x6800  }
.LBB2_1:
0xf: {  	s18 =	simm.s32 $0x200;
	s19 =	simm.s32 $0x0  }
.LBB2_2:
0x10: {  	p0 =	sne.s32 s18, $0xFE00;
	[tilespmem:s19+$0x2800] =	vst v0;
	s20 =	smov.u32 s18;
	s18 =	sadd.s32 $0x200, s18  }
.Ltmp0:
0x11: {  	[tilespmem:s19+$0x6800] =	vst v1;
	(pc) =	sbr.rel @p0 .LBB2_2-.Ltmp0, $2  }
0x12: {  	_ =	sdelay $0x2  }
0x13: {  	s19 =	sshra.s32 s20, $0x2  }
0x14: {  	[tilespmem:s19+$0x2800] =	vst v0  }
0x15: {  	[tilespmem:s19+$0x6800] =	vst v1  }
0x16: {  	[spmem:s4] =	stream.linear.scatter [tilespmem:s12], [sflag:$0x1], $0x4000, $0x38;
	[tilespmem:$0xD000] =	vst v63  }
0x17: {  	_ =	swait.ge [sflag:s13], $0x4000  }
0x18: {  	[sflag:s13] =	ssyncset.done $0x0  }
0x19: {  	[sflag:s13] =	ssyncadd.s32 $0xFFFFC000  }
0x1a: {  	[spmem:s5] =	stream.linear.scatter [tilespmem:s12], [sflag:$0x1], $0x4000, $0x38;
	[tilespmem:$0xD000] =	vst v63  }
0x1b: {  	_ =	swait.ge [sflag:s13], $0x4000  }
0x1c: {  	[sflag:s13] =	ssyncset.done $0x0  }
0x1d: {  	[sflag:s13] =	ssyncadd.s32 $0xFFFFC000  }
0x1e: {  	[spmem:s6] =	stream.linear.scatter [tilespmem:s12], [sflag:$0x1], $0x4000, $0x38;
	[tilespmem:$0xD000] =	vst v63  }
0x1f: {  	_ =	swait.ge [sflag:s13], $0x4000  }
0x20: {  	[sflag:s13] =	ssyncset.done $0x0  }
0x21: {  	[sflag:s13] =	ssyncadd.s32 $0xFFFFC000  }
0x22: {  	[spmem:s7] =	stream.linear.scatter [tilespmem:s12], [sflag:$0x1], $0x4000, $0x38;
	[tilespmem:$0xD000] =	vst v63  }
0x23: {  	_ =	swait.ge [sflag:s13], $0x4000  }
0x24: {  	[sflag:s13] =	ssyncset.done $0x0  }
0x25: {  	[sflag:s13] =	ssyncadd.s32 $0xFFFFC000  }
0x26: {  	[spmem:s8] =	stream.linear.scatter [tilespmem:s12], [sflag:$0x1], $0x4000, $0x38;
	[tilespmem:$0xD000] =	vst v63  }
0x27: {  	_ =	swait.ge [sflag:s13], $0x4000  }
0x28: {  	[sflag:s13] =	ssyncset.done $0x0  }
0x29: {  	[sflag:s13] =	ssyncadd.s32 $0xFFFFC000  }
0x2a: {  	s18 =	simm.s32 $0x0;
	[bflag:$0x0] =	sbarrier.arrive $0xFFFF  }
0x2b: {  	[tilespmem:s18], [sflag:$0x1] =	stream.linear.gather [hbm4b:s9+s18], $0x2800, $0x38;
	[tilespmem:$0xD000] =	vst v63  }
0x2c: {  	_ =	swait.ge [sflag:s13], $0x2800  }
0x2d: {  	[sflag:s13] =	ssyncset.done $0x0  }
0x2e: {  	s31 =	simm.s32 $0x0;
	[sflag:s13] =	ssyncadd.s32 $0xFFFFD800  }
0x2f: {  	[spmem:s2] =	stream.indirect.scatter.add.f32 [tilespmem:s15], [sflag:$0x1], $0x10, s31, s14, $0xb8;
	[tilespmem:$0xD000] =	vst v63  }
0x30: {  	_ =	swait.ge [sflag:s13], $0x800  }
0x31: {  	s18 =	simm.s32 $0x200;
	[sflag:s13] =	ssyncset.done $0x0  }
.LBB2_4:
0x32: {  	s19 =	sshra.s32 s18, $0x2;
	[sflag:s13] =	ssyncadd.s32 $0xFFFFF800;
	p0 =	sne.s32 s18, $0x9E00  }
0x33: {  	[spmem:s2] =	stream.indirect.scatter.add.f32 [tilespmem:s15], [sflag:$0x1], $0x10, s19, s14, $0xb8;
	[tilespmem:$0xD000] =	vst v63  }
.Ltmp1:
0x34: {  	_ = 	snop;
	(pc) =	sbr.rel @p0 .LBB2_4-.Ltmp1, $4  }
0x35: {  	_ = 	snop  }
0x36: {  	s18 =	sadd.s32 $0x200, s18  }
0x37: {  	_ =	swait.ge [sflag:s13], $0x800  }
0x38: {  	[sflag:s13] =	ssyncset.done $0x0  }
0x39: {  	s3 =	sadd.s32 $0x1, s3  }
0x3a: {  	[sflag:s13] =	ssyncadd.s32 $0xFFFFF800;
	p0 =	sne.s32 s3, s11  }
.Ltmp2:
0x3b: {  	[bflag:$0x0] =	sbarrier.arrive $0xFFFF;
	(pc) =	sbr.rel @p0 .LBB2_1-.Ltmp2, $4  }
0x3c: {  	[hbm:s10], [sflag:s16] =	dma.local [spmem:s17], $0x2800  }
0x3d: {  	_ =	swait.ge [sflag:s13], $0x2800  }
0x3e: {  	[sflag:s13] =	ssyncset.done $0x0  }
0x3f: {  	[sflag:s13] =	ssyncadd.s32 $0xFFFFD800  }
0x40: {  	_ =	sfence.sel $0x180000  }
0x41: {  	[bflag:$0x0] =	sbarrier.arrive $0xFFFF  }
0x42: {  	p0 =	sne.s32 s0, $0x0;
	_ =	strace $0x90000047  }
0x43: {  	s0 =	sadd.s32 @!p0 $0x100000, s1;
	[bflag:$0x2] =	sbarrier.arrive $0xFFFF  }
0x44: {  	[sflag:s0] =	ssyncadd.tile.s32 @!p0 $0x1;
	_ =	shalt  }
.Lfunc_end2:
_tile_overlayer_lowered:
.L_overlay_start_2:
0x45: {  	(tag) =	ssettag $0x2  }
0x46: {  	s0 =	rddreg [dreg:$0x0];
	s2 =	stileid.u32  }
0x47: {  	s1 =	rddreg [dreg:$0x1];
	p0 =	sne.s32 s2, $0x0  }
0x48: {  	s3 =	rddreg [dreg:$0x2];
	[bflag:$0x3] =	sbarrier.arrive $0xFFFF;
	s2 =	simm.s32 @!p0 $0x1C01  }
0x49: {  	[timem:s3], [sflag:s2] =	dma.local @!p0 [hbm:s0], s1  }
0x4a: {  	s0 =	simm.s32 @!p0 $0x1  }
0x4b: {  	_ =	swait.ge @!p0 [sflag:s0], s1  }
0x4c: {  	s1 =	ssub.s32 @!p0 $0x0, s1;
	[sflag:s0] =	ssyncset.done @!p0 $0x0  }
0x4d: {  	[sflag:s0] =	ssyncadd.s32 @!p0 s1  }
0x4e: {  	[bflag:$0x3] =	sbarrier.arrive $0xFFFF  }
0x4f: {  	_ =	shalt  }

// kernel: kernel.9.cloned.1.call-start
scs
__scs_entry_jumppad:
0x0: {  	(pc) =	sbr.rel $0x88, $3  }
0x1: {  	(tag) =	ssettag $0x0;
	lr =	simm.s32 $0x1  }
0x2: {  	[smem:$0x3F97] =	sst lr;
	_ =	strace $0xD0000000  }
0x3: {  	_ = 	snop  }
0x4: {  	_ = 	snop  }
0x5: {  	_ = 	snop  }
0x6: {  	_ = 	snop  }
0x7: {  	_ = 	snop  }
__scs_overlays_trampoline_lowered:
0x8: {  	[smem:$0x3FA6] =	sst s0  }
0x9: {  	[smem:$0x3FA7] =	sst s1  }
0xa: {  	[smem:$0x3FA8] =	sst s2  }
0xb: {  	[smem:$0x3FA9] =	sst s3  }
0xc: {  	[smem:$0x3FAA] =	sst s4  }
0xd: {  	[smem:$0x3FAB] =	sst s5  }
0xe: {  	[smem:$0x3FAC] =	sst s6  }
0xf: {  	[smem:$0x3FAD] =	sst s7  }
0x10: {  	[smem:$0x3FAE] =	sst s8  }
0x11: {  	[smem:$0x3FAF] =	sst s9;
	s0 =	simm.s32 @!p0 $0x0  }
0x12: {  	s1 =	sld [smem:$0x3F95];
	s0 =	simm.s32 @p0 $0x1  }
0x13: {  	[smem:$0x3FB0] =	sst s0;
	s0 =	simm.s32 @!p1 $0x0  }
0x14: {  	s2 =	sld [smem:$0x3F94];
	s0 =	simm.s32 @p1 $0x1  }
0x15: {  	[smem:$0x3FB1] =	sst s0;
	s0 =	simm.s32 @!p2 $0x0  }
0x16: {  	s3 =	sld [smem:$0x3FDB];
	s0 =	simm.s32 @p2 $0x1  }
0x17: {  	s4 =	simm.s32 $0x1BF5;
	[smem:$0x3FB3] =	sst s0  }
0x18: {  	s0 =	sld [smem:$0x3F96];
	_ =	swait.ge [sflag:s4], $0x0  }
0x19: {  	s7 =	sld [smem:$0x3F97]  }
0x1a: {  	s8 =	sadd.s32 $0xFFFFE003, lr  }
0x1b: {  	s9 =	sadd.s32 $0xFFFFFEF7, lr;
	s5 =	simm.s32 $0xFFFFFFFF;
	p2 =	slt.u32 s8, $0xFFFFF086  }
0x1c: {  	p1 =	slt.u32 s9, $0xF7A;
	s5 =	simm.s32 @!p2 $0x0  }
0x1d: {  	s5 =	simm.s32 @p1 $0x1;
	p0 =	seq.s32 s7, s2  }
0x1e: {  	s7 =	smul.u32 @!p0 $0xF7A, s2;
	p2 =	seq.s32 @!p0 s5, $0x0  }
0x1f: {  	s9 =	smul.u32 $0xF7A, s1;
	s8 =	simm.s32 @!p0 $0x1BF5;
	p2 =	por !p2, p0  }
0x20: {  	[sflag:s8] =	ssyncset.s32 @!p0 $0xFFFFF086;
	s6 =	sadd.s32 @!p0 s3, s7;
	s7 =	simm.s32 @!p0 $0x108  }
0x21: {  	s3 =	sadd.s32 s3, s9;
	s6 =	sadd.s32 @!p0 $0x88, s6;
	s7 =	simm.s32 @p2 $0x1082  }
0x22: {  	[simem:s7], [sflag:s8] =	dma.local @!p0 [hbm:s6], $0xF7A  }
0x23: {  	s9 =	sor.u32 $0xD0000000, s2;
	s6 =	simm.s32 $0x108;
	_ =	swait.ge @!p0 [sflag:s8], $0x0  }
0x24: {  	s3 =	sadd.s32 $0x88, s3;
	s6 =	simm.s32 @!p1 $0x1082;
	[sflag:s4] =	ssyncset.s32 $0xFFFFF086  }
0x25: {  	[simem:s6], [sflag:s4] =	dma.local [hbm:s3], $0xF7A  }
0x26: {  	[smem:$0x3F97] =	sst s1;
	(tag) =	ssettag s2;
	_ =	strace s9  }
0x27: {  	s1 =	sld [smem:$0x3FA7]  }
0x28: {  	s2 =	sld [smem:$0x3FA8]  }
0x29: {  	s4 =	sld [smem:$0x3FAA]  }
0x2a: {  	p0 =	seq.s32 s5, $0x0;
	s5 =	sld [smem:$0x3FAB]  }
0x2b: {  	s6 =	sld [smem:$0x3FAC]  }
0x2c: {  	s7 =	sld [smem:$0x3FAD]  }
0x2d: {  	s3 =	simm.s32 $0x108;
	s8 =	sld [smem:$0x3FAE]  }
0x2e: {  	s3 =	simm.s32 @!p0 $0x1082;
	s9 =	sld [smem:$0x3FAF]  }
0x2f: {  	lr =	sadd.s32 s0, s3;
	s0 =	sld [smem:$0x3FA6]  }
0x30: {  	s3 =	sld [smem:$0x3FA9]  }
0x31: {  	[smem:$0x3FB2] =	sst s10  }
0x32: {  	s10 =	sld [smem:$0x3FB0];
	_ =	sdelay $0x3  }
0x33: {  	p0 =	seq.s32 s10, $0x1;
	s10 =	sld [smem:$0x3FB2];
	_ =	sdelay $0x3  }
0x34: {  	[smem:$0x3FB2] =	sst s10  }
0x35: {  	s10 =	sld [smem:$0x3FB1];
	_ =	sdelay $0x3  }
0x36: {  	p1 =	seq.s32 s10, $0x1;
	s10 =	sld [smem:$0x3FB2];
	_ =	sdelay $0x3  }
0x37: {  	[smem:$0x3FB2] =	sst s10  }
0x38: {  	s10 =	sld [smem:$0x3FB3]  }
0x39: {  	_ = 	snop;
	(pc) =	sbr.ind lr, $3  }
0x3a: {  	_ = 	snop  }
0x3b: {  	_ = 	snop  }
0x3c: {  	p2 =	seq.s32 s10, $0x1;
	s10 =	sld [smem:$0x3FB2]  }
0x3d: {  	_ =	shalt  }
0x3e: {  	_ =	shalt  }
0x3f: {  	_ =	shalt  }
0x40: {  	_ =	shalt  }
0x41: {  	_ =	shalt  }
0x42: {  	_ =	shalt  }
0x43: {  	_ =	shalt  }
0x44: {  	_ =	shalt  }
0x45: {  	_ =	shalt  }
0x46: {  	_ =	shalt  }
0x47: {  	_ =	shalt  }
0x48: {  	_ =	shalt  }
0x49: {  	_ =	shalt  }
0x4a: {  	_ =	shalt  }
0x4b: {  	_ =	shalt  }
0x4c: {  	_ =	shalt  }
0x4d: {  	_ =	shalt  }
0x4e: {  	_ =	shalt  }
0x4f: {  	_ =	shalt  }
0x50: {  	_ =	shalt  }
0x51: {  	_ =	shalt  }
0x52: {  	_ =	shalt  }
0x53: {  	_ =	shalt  }
0x54: {  	_ =	shalt  }
0x55: {  	_ =	shalt  }
0x56: {  	_ =	shalt  }
0x57: {  	_ =	shalt  }
0x58: {  	_ =	shalt  }
0x59: {  	_ =	shalt  }
0x5a: {  	_ =	shalt  }
0x5b: {  	_ =	shalt  }
0x5c: {  	_ =	shalt  }
0x5d: {  	_ =	shalt  }
0x5e: {  	_ =	shalt  }
0x5f: {  	_ =	shalt  }
0x60: {  	_ =	shalt  }
0x61: {  	_ =	shalt  }
0x62: {  	_ =	shalt  }
0x63: {  	_ =	shalt  }
0x64: {  	_ =	shalt  }
0x65: {  	_ =	shalt  }
0x66: {  	_ =	shalt  }
0x67: {  	_ =	shalt  }
0x68: {  	_ =	shalt  }
0x69: {  	_ =	shalt  }
0x6a: {  	_ =	shalt  }
0x6b: {  	_ =	shalt  }
0x6c: {  	_ =	shalt  }
0x6d: {  	_ =	shalt  }
0x6e: {  	_ =	shalt  }
0x6f: {  	_ =	shalt  }
0x70: {  	_ =	shalt  }
0x71: {  	_ =	shalt  }
0x72: {  	_ =	shalt  }
0x73: {  	_ =	shalt  }
0x74: {  	_ =	shalt  }
0x75: {  	_ =	shalt  }
0x76: {  	_ =	shalt  }
0x77: {  	_ =	shalt  }
0x78: {  	_ =	shalt  }
0x79: {  	_ =	shalt  }
0x7a: {  	_ =	shalt  }
0x7b: {  	_ =	shalt  }
0x7c: {  	_ =	shalt  }
0x7d: {  	_ =	shalt  }
0x7e: {  	_ =	shalt  }
0x7f: {  	_ =	shalt  }
0x80: {  	_ =	shalt  }
0x81: {  	_ =	shalt  }
0x82: {  	_ =	shalt  }
0x83: {  	_ =	shalt  }
0x84: {  	_ =	shalt  }
0x85: {  	_ =	shalt  }
0x86: {  	_ =	shalt  }
0x87: {  	_ =	shalt  }
.Lfunc_end0:
.L_simem_size_0:
called_computation.1_lowered:
.L_overlay_start_0:
0x88: {  	s2 =	sld [smem:$0x3FD9]  }
0x89: {  	s3 =	sld [smem:$0x3FFE];
	_ =	sdelay $0x1  }
0x8a: {  	s1 =	srdreg.scid  }
0x8b: {  	s0 =	sand.u32 $0x1, s1  }
0x8c: {  	s16 =	sshll.u32 s0, $0xA;
	s2 =	sadd.s32 s3, s2  }
0x8d: {  	s2 =	sadd.s32 s2, s16  }
0x8e: {  	[smem:$0x3FBE] =	sst s2  }
0x8f: {  	_ = 	snop  }
0x90: {  	(tm) =	ssettm $0x1  }
0x91: {  	s17 =	sld [smem:$0x3FFB];
	_ =	sdelay $0x3  }
0x92: {  	_ =	strace s17  }
0x93: {  	s2 =	sld [smem:$0x3FFC];
	_ =	sdelay $0x3  }
0x94: {  	_ =	strace s2  }
0x95: {  	s2 =	sld [smem:$0x3FFD];
	_ =	sdelay $0x3  }
0x96: {  	_ =	strace s2  }
0x97: {  	_ =	strace $0x8FFFFFFF  }
0x98: {  	s18 =	sld [smem:$0x3FDB];
	_ =	sdelay $0x1  }
0x99: {  	s19 =	simm.s32 $_scs_section_size  }
0x9a: {  	s4 =	simm.s32 $_size__tile_overlayer_lowered;
	s5 =	simm.s32 $_tile_overlayer_lowered  }
0x9b: {  	s22 =	simm.s32 $0x1BFF;
	s21 =	sshll.u32 s5, $0x1;
	s2 =	sadd.s32 s19, s18  }
0x9c: {  	s6 =	simm.s32 $0x0;
	s20 =	sshll.u32 s4, $0x1;
	s4 =	sadd.s32 s21, s2  }
0x9d: {  	[timem:s6], [sflag:s22] =	dma.local [hbm:s4], s20  }
0x9e: {  	_ =	swait.ge [sflag:s22], s20  }
0x9f: {  	s3 =	ssub.s32 $0x0, s20;
	[sflag:s22] =	ssyncset.done $0x0  }
0xa0: {  	[sflag:s22] =	ssyncadd.s32 s3;
	_ =	sdelay $0x1  }
0xa1: {  	s23 =	simm.s32 $0x1B8B  }
0xa2: {  	_ =	swait.ge [sflag:s23], $0x1  }
0xa3: {  	[sflag:s23] =	ssyncset.done $0x0  }
0xa4: {  	s25 =	simm.s32 $0x1B8E;
	s24 =	sld [smem:$0x3FFE];
	[sflag:s23] =	ssyncadd.s32 $0xFFFFFFFF  }
0xa5: {  	s26 =	simm.s32 $execute0_lowered;
	[smem:$0x3FD2] =	sst s25  }
0xa6: {  	s4 =	sshll.u32 s26, $0x1;
	_ =	strace $0x80000049;
	[dreg:$0x1] =	wrdreg $0xFFFFFFFF  }
0xa7: {  	s28 =	simm.s32 $_size_execute0_lowered;
	s2 =	sadd.s32 s2, s4;
	[dreg:$0x0] =	wrdreg $0x0  }
0xa8: {  	s4 =	sshll.u32 s28, $0x1;
	[dreg:$0x2] =	wrdreg s2  }
0xa9: {  	[dreg:$0x3] =	wrdreg s4  }
0xaa: {  	[dreg:$0x4] =	wrdreg $0xC0  }
0xab: {  	_ =	task [dreg:s6], $0x5FFFF  }
0xac: {  	[dreg:$0x1] =	wrdreg $0xFFFFFFFF  }
0xad: {  	[dreg:$0x0] =	wrdreg $0x60  }
0xae: {  	[dreg:$0x2] =	wrdreg s24  }
0xaf: {  	[dreg:$0x3] =	wrdreg $0xE0000  }
0xb0: {  	[dreg:$0x4] =	wrdreg $0x9  }
0xb1: {  	_ =	task.clear_ibuf [dreg:s6], $0x5FFFF;
	_ =	strace $0x90000049  }
0xb2: {  	s29 =	simm.s32 $0x9;
	_ =	strace $0x8000004B  }
0xb3: {  	_ =	swait.ge [sflag:s29], $0x1  }
0xb4: {  	[sflag:s29] =	ssyncadd.s32 $0xFFFFFFFF  }
0xb5: {  	_ =	strace $0x9000004B  }
0xb6: {  	_ =	sfence  }
0xb7: {  	s30 =	sld [smem:$0x0];
	_ =	sdelay $0x2  }
0xb8: {  	s31 =	sshll.u32 s1, $0xD;
	s1 =	sshrl.u32 s1, $0x2  }
0xb9: {  	s3 =	sand.u32 $0x4000, s31;
	s1 =	sadd.s32 s1, s30  }
0xba: {  	s0 =	sor.u32 s3, s0;
	s1 =	sshll.u32 s1, $0x11  }
0xbb: {  	s0 =	sor.u32 s1, s0  }
0xbc: {  	s0 =	sadd.s32 $0x8F2B, s0  }
0xbd: {  	[sflag:s0] =	ssyncadd.remote.s32 $0x1  }
0xbe: {  	_ =	sfence.sel $0xFFFF  }
0xbf: {  	[dreg:$0x0] =	wrdreg $0xFFFFFFFF;
	(pc) =	sbr.abs _section_cstart, $3  }
0xc0: {  	[dreg:$0x1] =	wrdreg $0xFFFFFFFF  }
0xc1: {  	_ =	task.clear_ibuf [dreg:s6], $0x2FFFF;
	_ =	strace $0x9FFFFFFF  }
0xc2: {  	(tm) =	ssettm $0x7FFFFFFF  }
0xc3: {  	_ =	shalt  }
tec
execute0_lowered:
.L_overlay_start_1:
0x0: {  	(tag) =	ssettag $0x1  }
0x1: {  	s6 =	rddreg [dreg:$0x0]  }
0x2: {  	s2 =	rddreg [dreg:$0x1]  }
0x3: {  	s0 =	rddreg [dreg:$0x2]  }
0x4: {  	s1 =	stileid.u32;
	s5 =	srdreg.scid  }
0x5: {  	s3 =	simm.s32 $0x0;
	s16 =	simm.s32 $0x2;
	s4 =	smul.u32 $0xA00, s1  }
0x6: {  	s17 =	simm.s32 $0x5000;
	s18 =	simm.s32 $0x80;
	s7 =	smul.u32 $0xA000, s1  }
0x7: {  	s19 =	simm.s32 $0xA000;
	s13 =	sand.u32 $0x1, s5;
	s9 =	smul.u32 $0x28000, s1  }
0x8: {  	s20 =	simm.s32 $0x1;
	[smem:$0x7FF] =	sst s3;
	s5 =	smul.u32 $0xA0000, s13  }
0x9: {  	_ =	strace $0x8000004A;
	s10 =	ssub.s32 $0x2, s13;
	p0 =	seq.s32 s13, $0x1  }
0xa: {  	s12 =	sadd.s32 s4, s6;
	s4 =	sadd.s32 $0xCA400, s6;
	s29 =	sshrl.u32 s10, $0x1  }
0xb: {  	s30 =	sshrl.u32 s9, $0x2;
	s8 =	sadd.s32 s7, s5;
	s5 =	sadd.s32 $0xB6400, s6  }
.Ltmp0:
0xc: {  	s15 =	ssub.s32 s10, s29;
	s31 =	sadd.s32 s30, s2;
	(pc) =	sbr.rel .LBB2_1-.Ltmp0, $4  }
0xd: {  	s11 =	sadd.s32 $0xC400, s12;
	s12 =	sadd.s32 $0x2400, s12;
	s8 =	sshrl.u32 s8, $0x3  }
0xe: {  	s9 =	sadd.s32 $0x6000, s31;
	s10 =	sadd.s32 $0x8000, s31;
	s14 =	sadd.s32 s8, s6  }
0xf: {  	s6 =	sadd.s32 s7, s2;
	s7 =	sadd.s32 $0x2000, s31;
	s8 =	sadd.s32 $0x4000, s31  }
0x10: {  	v0 =	vimm.f32 $0.0e+00;
	s13 =	sadd.s32 $0xDE400, s14;
	s14 =	smax.u32 s15, $0x1;
	s15 =	simm.s32 $0xC000  }
.LBB2_6:
0x11: {  	s21 =	sshra.s32 s21, $0x2;
	[sflag:s16] =	ssyncadd.s32 $0xFFFFE000  }
0x12: {  	[tilespmem:s19], [sflag:$0x1] =	stream.indirect.gather [hbm4b:s4+s18], $0x40, s21, s18, $0xb8;
	[tilespmem:$0x18000] =	vst v63  }
0x13: {  	_ =	swait.ge [sflag:s20], $0x2000  }
0x14: {  	[sflag:s20] =	ssyncset.done $0x0  }
0x15: {  	s21 =	sadd.s32 $0x5000, s21;
	[sflag:s20] =	ssyncadd.s32 $0xFFFFE000  }
0x16: {  	[spmem:s2] =	stream.indirect.scatter.add.f32 [tilespmem:s19], [sflag:$0x2], $0x40, s21, s18, $0xb8;
	[tilespmem:$0x18000] =	vst v63  }
0x17: {  	_ =	swait.ge [sflag:s16], $0x2000  }
0x18: {  	[sflag:s16] =	ssyncset.done $0x0  }
0x19: {  	[sflag:s16] =	ssyncadd.s32 $0xFFFFE000  }
.LBB2_10:
0x1a: {  	s3 =	sadd.s32 $0x1, s3  }
0x1b: {  	s21 =	sshll.u32 s1, $0x6;
	[bflag:$0x0] =	sbarrier.arrive $0xFFFF;
	p1 =	sne.s32 s3, s14  }
.Ltmp1:
0x1c: {  	s22 =	sshrl.u32 s6, $0x3;
	s21 =	sor.u32 $0x1C02, s21;
	(pc) =	sbr.rel @!p1 .LBB2_11-.Ltmp1, $4  }
0x1d: {  	[hbm:s13], [sflag:s21] =	dma.local [spmem:s22], $0x1400  }
0x1e: {  	_ =	swait.ge [sflag:s16], $0x1400  }
0x1f: {  	[sflag:s16] =	ssyncset.done $0x0  }
0x20: {  	[sflag:s16] =	ssyncadd.s32 $0xFFFFEC00  }
.LBB2_1:
0x21: {  	s22 =	simm.s32 $0x100;
	s21 =	simm.s32 $0x0  }
.LBB2_2:
0x22: {  	p1 =	sne.s32 s22, $0x7F00;
	[tilespmem:s21+$0xC030] =	vst v0;
	s23 =	smov.u32 s22;
	s22 =	sadd.s32 $0x100, s22  }
.Ltmp2:
0x23: {  	[tilespmem:s21+$0xC020] =	vst v0;
	(pc) =	sbr.rel @p1 .LBB2_2-.Ltmp2, $3  }
0x24: {  	[tilespmem:s21+$0xC000] =	vst v0  }
0x25: {  	[tilespmem:s21+$0xC010] =	vst v0;
	_ =	sdelay $0x1  }
0x26: {  	s21 =	sshra.s32 s23, $0x2  }
0x27: {  	[tilespmem:s21+$0xC030] =	vst v0  }
0x28: {  	[tilespmem:s21+$0xC020] =	vst v0  }
0x29: {  	[tilespmem:s21+$0xC000] =	vst v0  }
0x2a: {  	[tilespmem:s21+$0xC010] =	vst v0  }
0x2b: {  	[spmem:s6] =	stream.linear.scatter [tilespmem:s15], [sflag:$0x2], $0x2000, $0x38;
	[tilespmem:$0x18000] =	vst v63  }
0x2c: {  	_ =	swait.ge [sflag:s16], $0x2000  }
0x2d: {  	[sflag:s16] =	ssyncset.done $0x0  }
0x2e: {  	[sflag:s16] =	ssyncadd.s32 $0xFFFFE000  }
0x2f: {  	[spmem:s7] =	stream.linear.scatter [tilespmem:s15], [sflag:$0x2], $0x2000, $0x38;
	[tilespmem:$0x18000] =	vst v63  }
0x30: {  	_ =	swait.ge [sflag:s16], $0x2000  }
0x31: {  	[sflag:s16] =	ssyncset.done $0x0  }
0x32: {  	[sflag:s16] =	ssyncadd.s32 $0xFFFFE000  }
0x33: {  	[spmem:s8] =	stream.linear.scatter [tilespmem:s15], [sflag:$0x2], $0x2000, $0x38;
	[tilespmem:$0x18000] =	vst v63  }
0x34: {  	_ =	swait.ge [sflag:s16], $0x2000  }
0x35: {  	[sflag:s16] =	ssyncset.done $0x0  }
0x36: {  	[sflag:s16] =	ssyncadd.s32 $0xFFFFE000  }
0x37: {  	[spmem:s9] =	stream.linear.scatter [tilespmem:s15], [sflag:$0x2], $0x2000, $0x38;
	[tilespmem:$0x18000] =	vst v63  }
0x38: {  	_ =	swait.ge [sflag:s16], $0x2000  }
0x39: {  	[sflag:s16] =	ssyncset.done $0x0  }
0x3a: {  	[sflag:s16] =	ssyncadd.s32 $0xFFFFE000  }
0x3b: {  	[spmem:s10] =	stream.linear.scatter [tilespmem:s15], [sflag:$0x2], $0x2000, $0x38;
	[tilespmem:$0x18000] =	vst v63  }
0x3c: {  	_ =	swait.ge [sflag:s16], $0x2000  }
0x3d: {  	[sflag:s16] =	ssyncset.done $0x0  }
0x3e: {  	[sflag:s16] =	ssyncadd.s32 $0xFFFFE000  }
0x3f: {  	s31 =	simm.s32 $0x0;
	[bflag:$0x0] =	sbarrier.arrive $0xFFFF  }
0x40: {  	[tilespmem:s31], [sflag:$0x2] =	stream.linear.gather [hbm4b:s11+s31], $0x5000, $0x38;
	[tilespmem:$0x18000] =	vst v63  }
0x41: {  	_ =	swait.ge [sflag:s16], $0x5000  }
0x42: {  	[sflag:s16] =	ssyncset.done $0x0  }
.Ltmp3:
0x43: {  	[sflag:s16] =	ssyncadd.s32 $0xFFFFB000;
	(pc) =	sbr.rel @!p0 .LBB2_4-.Ltmp3, $4  }
0x44: {  	[tilespmem:s17], [sflag:$0x2] =	stream.linear.gather [hbm4b:s12+s31], $0x5000, $0x38;
	[tilespmem:$0x18000] =	vst v63  }
0x45: {  	_ =	swait.ge [sflag:s16], $0x5000  }
0x46: {  	[sflag:s16] =	ssyncset.done $0x0  }
0x47: {  	s21 =	simm.s32 $0x0;
	[sflag:s16] =	ssyncadd.s32 $0xFFFFB000  }
0x48: {  	[tilespmem:s19], [sflag:$0x1] =	stream.indirect.gather [hbm4b:s5+s18], $0x40, s21, s18, $0xb8;
	[tilespmem:$0x18000] =	vst v63  }
0x49: {  	_ =	swait.ge [sflag:s20], $0x2000  }
0x4a: {  	[sflag:s20] =	ssyncset.done $0x0  }
0x4b: {  	s31 =	simm.s32 $0x5000;
	[sflag:s20] =	ssyncadd.s32 $0xFFFFE000  }
0x4c: {  	[spmem:s2] =	stream.indirect.scatter.add.f32 [tilespmem:s19], [sflag:$0x2], $0x40, s31, s18, $0xb8;
	[tilespmem:$0x18000] =	vst v63  }
0x4d: {  	_ =	swait.ge [sflag:s16], $0x2000  }
0x4e: {  	s21 =	simm.s32 $0x200;
	s22 =	simm.s32 $0x400;
	[sflag:s16] =	ssyncset.done $0x0  }
.LBB2_8:
0x4f: {  	s23 =	sshra.s32 s21, $0x2  }
0x50: {  	[sflag:s16] =	ssyncadd.s32 $0xFFFFE000;
	s21 =	smov.u32 s22;
	s24 =	sadd.s32 $0x200, s22  }
0x51: {  	[tilespmem:s19], [sflag:$0x1] =	stream.indirect.gather [hbm4b:s5+s18], $0x40, s23, s18, $0xb8;
	[tilespmem:$0x18000] =	vst v63  }
0x52: {  	p1 =	sne.s32 s22, $0x13E00;
	_ =	swait.ge [sflag:s20], $0x2000  }
.Ltmp4:
0x53: {  	[sflag:s20] =	ssyncset.done $0x0;
	(pc) =	sbr.rel @p1 .LBB2_8-.Ltmp4, $4  }
0x54: {  	s22 =	sadd.s32 $0x5000, s23;
	[sflag:s20] =	ssyncadd.s32 $0xFFFFE000  }
0x55: {  	[spmem:s2] =	stream.indirect.scatter.add.f32 [tilespmem:s19], [sflag:$0x2], $0x40, s22, s18, $0xb8;
	[tilespmem:$0x18000] =	vst v63  }
0x56: {  	_ =	swait.ge [sflag:s16], $0x2000  }
0x57: {  	s22 =	smov.u32 s24;
	[sflag:s16] =	ssyncset.done $0x0  }
0x58: {  	s21 =	sshra.s32 s21, $0x2;
	[sflag:s16] =	ssyncadd.s32 $0xFFFFE000  }
0x59: {  	[tilespmem:s19], [sflag:$0x1] =	stream.indirect.gather [hbm4b:s5+s18], $0x40, s21, s18, $0xb8;
	[tilespmem:$0x18000] =	vst v63  }
0x5a: {  	_ =	swait.ge [sflag:s20], $0x2000  }
0x5b: {  	[sflag:s20] =	ssyncset.done $0x0  }
.Ltmp5:
0x5c: {  	s21 =	sadd.s32 $0x5000, s21;
	[sflag:s20] =	ssyncadd.s32 $0xFFFFE000;
	(pc) =	sbr.rel .LBB2_10-.Ltmp5, $4  }
0x5d: {  	[spmem:s2] =	stream.indirect.scatter.add.f32 [tilespmem:s19], [sflag:$0x2], $0x40, s21, s18, $0xb8;
	[tilespmem:$0x18000] =	vst v63  }
0x5e: {  	_ =	swait.ge [sflag:s16], $0x2000  }
0x5f: {  	[sflag:s16] =	ssyncset.done $0x0  }
0x60: {  	[sflag:s16] =	ssyncadd.s32 $0xFFFFE000  }
.LBB2_4:
0x61: {  	[tilespmem:s19], [sflag:$0x1] =	stream.indirect.gather [hbm4b:s4+s18], $0x40, s21, s18, $0xb8;
	[tilespmem:$0x18000] =	vst v63  }
0x62: {  	_ =	swait.ge [sflag:s20], $0x2000  }
0x63: {  	[sflag:s20] =	ssyncset.done $0x0  }
0x64: {  	s31 =	simm.s32 $0x5000;
	[sflag:s20] =	ssyncadd.s32 $0xFFFFE000  }
0x65: {  	[spmem:s2] =	stream.indirect.scatter.add.f32 [tilespmem:s19], [sflag:$0x2], $0x40, s31, s18, $0xb8;
	[tilespmem:$0x18000] =	vst v63  }
0x66: {  	_ =	swait.ge [sflag:s16], $0x2000  }
0x67: {  	s21 =	simm.s32 $0x200;
	s22 =	simm.s32 $0x400;
	[sflag:s16] =	ssyncset.done $0x0  }
.LBB2_5:
0x68: {  	s23 =	sshra.s32 s21, $0x2  }
0x69: {  	[sflag:s16] =	ssyncadd.s32 $0xFFFFE000;
	s21 =	smov.u32 s22;
	s24 =	sadd.s32 $0x200, s22  }
0x6a: {  	[tilespmem:s19], [sflag:$0x1] =	stream.indirect.gather [hbm4b:s4+s18], $0x40, s23, s18, $0xb8;
	[tilespmem:$0x18000] =	vst v63  }
0x6b: {  	p1 =	seq.s32 s22, $0x13E00;
	_ =	swait.ge [sflag:s20], $0x2000  }
.Ltmp6:
0x6c: {  	[sflag:s20] =	ssyncset.done $0x0;
	(pc) =	sbr.rel @!p1 .LBB2_5-.Ltmp6, $4  }
0x6d: {  	s22 =	sadd.s32 $0x5000, s23;
	[sflag:s20] =	ssyncadd.s32 $0xFFFFE000  }
0x6e: {  	[spmem:s2] =	stream.indirect.scatter.add.f32 [tilespmem:s19], [sflag:$0x2], $0x40, s22, s18, $0xb8;
	[tilespmem:$0x18000] =	vst v63  }
0x6f: {  	_ =	swait.ge [sflag:s16], $0x2000  }
0x70: {  	s22 =	smov.u32 s24;
	[sflag:s16] =	ssyncset.done $0x0  }
.Ltmp7:
0x71: {  	_ = 	snop;
	(pc) =	sbr.rel .LBB2_6-.Ltmp7, $1  }
0x72: {  	_ =	sdelay $0x3  }
.LBB2_11:
0x73: {  	_ =	sfence.sel $0x180000  }
0x74: {  	[bflag:$0x0] =	sbarrier.arrive $0xFFFF  }
0x75: {  	p0 =	sne.s32 s1, $0x0;
	_ =	strace $0x9000004A  }
0x76: {  	s0 =	sadd.s32 @!p0 $0x100000, s0;
	[bflag:$0x2] =	sbarrier.arrive $0xFFFF  }
0x77: {  	[sflag:s0] =	ssyncadd.tile.s32 @!p0 $0x1;
	_ =	shalt  }
.Lfunc_end2:
_tile_overlayer_lowered:
.L_overlay_start_2:
0x78: {  	(tag) =	ssettag $0x2  }
0x79: {  	s0 =	rddreg [dreg:$0x0];
	s2 =	stileid.u32  }
0x7a: {  	s1 =	rddreg [dreg:$0x1];
	p0 =	sne.s32 s2, $0x0  }
0x7b: {  	s3 =	rddreg [dreg:$0x2];
	[bflag:$0x3] =	sbarrier.arrive $0xFFFF;
	s2 =	simm.s32 @!p0 $0x1C02  }
0x7c: {  	[timem:s3], [sflag:s2] =	dma.local @!p0 [hbm:s0], s1  }
0x7d: {  	s0 =	simm.s32 @!p0 $0x2  }
0x7e: {  	_ =	swait.ge @!p0 [sflag:s0], s1  }
0x7f: {  	s1 =	ssub.s32 @!p0 $0x0, s1;
	[sflag:s0] =	ssyncset.done @!p0 $0x0  }
0x80: {  	[sflag:s0] =	ssyncadd.s32 @!p0 s1  }
0x81: {  	[bflag:$0x3] =	sbarrier.arrive $0xFFFF  }
0x82: {  	_ =	shalt  }

</sc_bundles>
